<compile_context>
chip_gen: v7x
topology: tpu7x:2x2x1
jax: 0.10.2.dev20260603
libtpu: 0.0.44.dev20260713+nightly
codegen_flags: <defaults>
</compile_context>

<pallas_src>
import functools

import jax
import jax.numpy as jnp
from jax.experimental import pallas as pl
from jax.experimental.pallas import tpu as pltpu
from jax.experimental.pallas import tpu_sc as plsc

_N = 256
_BB = 8
_NC = 2
_NS = 16
_BPW = _N // (_NC * _NS)


def _emb_body(rand_ref, col_ref, row_ref):
    r = rand_ref[...]
    n = r.shape[1]
    less = r[:, :, None] < r[:, None, :]
    kk = jax.lax.broadcasted_iota(jnp.int32, (1, n, n), 1)
    jj = jax.lax.broadcasted_iota(jnp.int32, (1, n, n), 2)
    tie = (r[:, :, None] == r[:, None, :]) & (kk < jj)
    rank = jnp.sum((less | tie).astype(jnp.int32), axis=1)
    ii = jax.lax.broadcasted_iota(jnp.int32, (1, n, n), 1)
    col_ref[...] = (rank[:, None, :] == ii).astype(col_ref.dtype)
    row_ref[...] = jnp.zeros_like(row_ref)


def _sc_copy_body(cost_hbm, out_hbm, b0, b1, si0, si1, so0, so1):
    cid = jax.lax.axis_index("c")
    sid = jax.lax.axis_index("s")
    base = (sid * _NC + cid) * _BPW
    bufs = (b0, b1)
    sin = (si0, si1)
    sout = (so0, so1)
    inh = {}
    outh = {}
    for k in range(2 * _BPW):
        p = k & 1
        bb = base + (k // 2)
        half = (k % 2) * (_N // 2)
        if k >= 2:
            outh[k - 2].wait()
        inh[k] = pltpu.async_copy(
            cost_hbm.at[bb, pl.ds(half, _N // 2)], bufs[p], sin[p])
        inh[k].wait()
        outh[k] = pltpu.async_copy(
            bufs[p], out_hbm.at[bb, pl.ds(half, _N // 2)], sout[p])
    outh[2 * _BPW - 2].wait()
    outh[2 * _BPW - 1].wait()


_sc_copy = functools.partial(
    pl.kernel,
    out_type=jax.ShapeDtypeStruct((_N, _N, _N), jnp.float32),
    mesh=plsc.VectorSubcoreMesh(core_axis_name="c", subcore_axis_name="s"),
    scratch_types=[
        pltpu.VMEM((_N // 2, _N), jnp.float32),
        pltpu.VMEM((_N // 2, _N), jnp.float32),
        pltpu.SemaphoreType.DMA,
        pltpu.SemaphoreType.DMA,
        pltpu.SemaphoreType.DMA,
        pltpu.SemaphoreType.DMA,
    ],
    compiler_params=pltpu.CompilerParams(
        needs_layout_passes=False, use_tc_tiling_on_sc=True),
)(_sc_copy_body)


def kernel(cost_matrix):
    b, n, _ = cost_matrix.shape
    rkey = jax.random.fold_in(jax.random.key(0), 1)
    rand = jax.random.uniform(rkey, (b, n), dtype=jnp.float32)
    cost_out = _sc_copy(cost_matrix)
    col_emb, row_emb = pl.pallas_call(
        _emb_body,
        grid=(b // _BB,),
        in_specs=[pl.BlockSpec((_BB, n), lambda i: (i, 0))],
        out_specs=[
            pl.BlockSpec((_BB, n, n), lambda i: (i, 0, 0)),
            pl.BlockSpec((_BB, n, n), lambda i: (i, 0, 0)),
        ],
        out_shape=[
            jax.ShapeDtypeStruct((b, n, n), cost_matrix.dtype),
            jax.ShapeDtypeStruct((b, n, n), cost_matrix.dtype),
        ],
    )(rand)
    return (row_emb, col_emb, cost_out)

# --- scband reference (transcript-rebuilt; emitter-appended) ---
"""Pipeline reference for scband-mat-net-atspinit-embedding-60687887892685 (READ-ONLY COPY).

The authoritative reference and input builder live on the scoring server;
editing this copy changes nothing except your own understanding.
"""

import jax, jax.numpy as jnp
import numpy as np

EMBEDDING_DIM = 256
MODE = 'RandomOneHot'


def setup_inputs(seed: int = 0) -> dict:
    key = jax.random.key(seed)
    cost_matrix = jax.random.uniform(key, (256, 256, 256), dtype=jnp.float32)
    return {"cost_matrix": cost_matrix}


def reference(cost_matrix):
    # Faithful translation of MatNetATSPInitEmbedding.forward (mode='RandomOneHot').
    # Note: dmat_proj/row_proj/col_proj parameters exist in __init__ but are NOT used
    # in forward, so they are omitted here (matching the original computation exactly).
    b, n, _ = cost_matrix.shape
    row_emb = jnp.zeros((b, n, EMBEDDING_DIM), dtype=cost_matrix.dtype)
    # torch.rand(b, n) -> deterministic jax equivalent with a fixed key
    rkey = jax.random.fold_in(jax.random.key(0), 1)
    rand = jax.random.uniform(rkey, (b, n), dtype=jnp.float32)
    rand_idx = jnp.argsort(rand, axis=1)  # [b, n], values in [0, n)
    b_idx = jnp.broadcast_to(jnp.arange(b)[:, None], (b, n))
    n_idx = jnp.broadcast_to(jnp.arange(n)[None, :], (b, n))
    col_emb = jnp.zeros((b, n, EMBEDDING_DIM), dtype=cost_matrix.dtype)
    # scatter-overwrite: col_emb[b_idx, n_idx, rand_idx] = 1.0
    col_emb = col_emb.at[b_idx, n_idx, rand_idx].set(1.0)
    return (row_emb, col_emb, cost_matrix)

if __name__ == "__main__":
    import jax
    _d = setup_inputs()
    print(jax.jit(kernel)(*tuple(_d.values())))

</pallas_src>

<mosaic_0001>
#map = affine_map<(d0, d1) -> (0, 0, 0)>
module attributes {stable_mosaic.version = 14 : i64} {
  func.func @_sc_copy_body(%arg0: i32, %arg1: i32, %arg2: memref<256x256x256xf32, #tpu.memory_space<hbm>>, %arg3: memref<256x256x256xf32, #tpu.memory_space<hbm>>, %arg4: memref<128x256xf32, #tpu.memory_space<vmem>>, %arg5: memref<128x256xf32, #tpu.memory_space<vmem>>, %arg6: memref<!tpu.dma_semaphore, #tpu.memory_space<semaphore_mem>>, %arg7: memref<!tpu.dma_semaphore, #tpu.memory_space<semaphore_mem>>, %arg8: memref<!tpu.dma_semaphore, #tpu.memory_space<semaphore_mem>>, %arg9: memref<!tpu.dma_semaphore, #tpu.memory_space<semaphore_mem>>) attributes {dimension_semantics = [#tpu.dimension_semantics<core_parallel>, #tpu.dimension_semantics<subcore_parallel>], iteration_bounds = array<i64: 2, 16>, scalar_prefetch = 0 : i64, scratch_operands = 6 : i64, tpu.core_type = #tpu.core_type<sc_vector_subcore>, window_params = [{transform_indices = #map}, {transform_indices = #map}]} {
    %mul3A = arith.constant 2 : i32
    %mul3A_0 = arith.muli %arg1, %mul3A : i32
    %add3A = arith.addi %mul3A_0, %arg0 : i32
    %mul3A_1 = arith.constant 8 : i32
    %mul3A_2 = arith.muli %add3A, %mul3A_1 : i32
    %add3A_3 = arith.constant 0 : i32
    %add3A_4 = arith.addi %mul3A_2, %add3A_3 : i32
    %dma_start3A = arith.constant 0 : i32
    %dma_start3A_5 = arith.constant 0 : i32
    %dma_start3A_6 = tpu.memref_slice %arg2[%add3A_4, %dma_start3A, %dma_start3A_5] : memref<256x256x256xf32, #tpu.memory_space<hbm>> -> memref<1x128x256xf32, #tpu.memory_space<hbm>>
    %dma_start3A_7 = tpu.memref_squeeze %dma_start3A_6 : memref<1x128x256xf32, #tpu.memory_space<hbm>> -> memref<128x256xf32, #tpu.memory_space<hbm>>
    %dma_start3A_8 = arith.constant 0 : i32
    %dma_start3A_9 = arith.constant 0 : i32
    %dma_start3A_10 = tpu.memref_slice %arg2[%add3A_4, %dma_start3A_8, %dma_start3A_9] : memref<256x256x256xf32, #tpu.memory_space<hbm>> -> memref<1x128x256xf32, #tpu.memory_space<hbm>>
    %dma_start3A_11 = tpu.memref_squeeze %dma_start3A_10 : memref<1x128x256xf32, #tpu.memory_space<hbm>> -> memref<128x256xf32, #tpu.memory_space<hbm>>
    tpu.enqueue_dma source(%dma_start3A_11 : memref<128x256xf32, #tpu.memory_space<hbm>>) target(%arg4 : memref<128x256xf32, #tpu.memory_space<vmem>>) target_semaphore(%arg6 : memref<!tpu.dma_semaphore, #tpu.memory_space<semaphore_mem>>)
    %dma_wait3A = arith.constant 0 : i32
    %dma_wait3A_12 = arith.constant 0 : i32
    %dma_wait3A_13 = tpu.memref_slice %arg2[%add3A_4, %dma_wait3A, %dma_wait3A_12] : memref<256x256x256xf32, #tpu.memory_space<hbm>> -> memref<1x128x256xf32, #tpu.memory_space<hbm>>
    %dma_wait3A_14 = tpu.memref_squeeze %dma_wait3A_13 : memref<1x128x256xf32, #tpu.memory_space<hbm>> -> memref<128x256xf32, #tpu.memory_space<hbm>>
    %dma_wait3A_15 = arith.constant 0 : i32
    %dma_wait3A_16 = arith.constant 0 : i32
    %dma_wait3A_17 = tpu.memref_slice %arg2[%add3A_4, %dma_wait3A_15, %dma_wait3A_16] : memref<256x256x256xf32, #tpu.memory_space<hbm>> -> memref<1x128x256xf32, #tpu.memory_space<hbm>>
    %dma_wait3A_18 = tpu.memref_squeeze %dma_wait3A_17 : memref<1x128x256xf32, #tpu.memory_space<hbm>> -> memref<128x256xf32, #tpu.memory_space<hbm>>
    tpu.wait_dma2 semaphore(%arg6 : memref<!tpu.dma_semaphore, #tpu.memory_space<semaphore_mem>>) src(%dma_wait3A_18 : memref<128x256xf32, #tpu.memory_space<hbm>>) dst(%arg4 : memref<128x256xf32, #tpu.memory_space<vmem>>)
    %dma_start3A_19 = arith.constant 0 : i32
    %dma_start3A_20 = arith.constant 0 : i32
    %dma_start3A_21 = tpu.memref_slice %arg3[%add3A_4, %dma_start3A_19, %dma_start3A_20] : memref<256x256x256xf32, #tpu.memory_space<hbm>> -> memref<1x128x256xf32, #tpu.memory_space<hbm>>
    %dma_start3A_22 = tpu.memref_squeeze %dma_start3A_21 : memref<1x128x256xf32, #tpu.memory_space<hbm>> -> memref<128x256xf32, #tpu.memory_space<hbm>>
    %dma_start3A_23 = arith.constant 0 : i32
    %dma_start3A_24 = arith.constant 0 : i32
    %dma_start3A_25 = tpu.memref_slice %arg3[%add3A_4, %dma_start3A_23, %dma_start3A_24] : memref<256x256x256xf32, #tpu.memory_space<hbm>> -> memref<1x128x256xf32, #tpu.memory_space<hbm>>
    %dma_start3A_26 = tpu.memref_squeeze %dma_start3A_25 : memref<1x128x256xf32, #tpu.memory_space<hbm>> -> memref<128x256xf32, #tpu.memory_space<hbm>>
    tpu.enqueue_dma source(%arg4 : memref<128x256xf32, #tpu.memory_space<vmem>>) target(%dma_start3A_26 : memref<128x256xf32, #tpu.memory_space<hbm>>) target_semaphore(%arg8 : memref<!tpu.dma_semaphore, #tpu.memory_space<semaphore_mem>>)
    %add3A_27 = arith.constant 0 : i32
    %add3A_28 = arith.addi %mul3A_2, %add3A_27 : i32
    %dma_start3A_29 = arith.constant 128 : i32
    %dma_start3A_30 = arith.constant 0 : i32
    %dma_start3A_31 = tpu.memref_slice %arg2[%add3A_28, %dma_start3A_29, %dma_start3A_30] : memref<256x256x256xf32, #tpu.memory_space<hbm>> -> memref<1x128x256xf32, #tpu.memory_space<hbm>>
    %dma_start3A_32 = tpu.memref_squeeze %dma_start3A_31 : memref<1x128x256xf32, #tpu.memory_space<hbm>> -> memref<128x256xf32, #tpu.memory_space<hbm>>
    %dma_start3A_33 = arith.constant 128 : i32
    %dma_start3A_34 = arith.constant 0 : i32
    %dma_start3A_35 = tpu.memref_slice %arg2[%add3A_28, %dma_start3A_33, %dma_start3A_34] : memref<256x256x256xf32, #tpu.memory_space<hbm>> -> memref<1x128x256xf32, #tpu.memory_space<hbm>>
    %dma_start3A_36 = tpu.memref_squeeze %dma_start3A_35 : memref<1x128x256xf32, #tpu.memory_space<hbm>> -> memref<128x256xf32, #tpu.memory_space<hbm>>
    tpu.enqueue_dma source(%dma_start3A_36 : memref<128x256xf32, #tpu.memory_space<hbm>>) target(%arg5 : memref<128x256xf32, #tpu.memory_space<vmem>>) target_semaphore(%arg7 : memref<!tpu.dma_semaphore, #tpu.memory_space<semaphore_mem>>)
    %dma_wait3A_37 = arith.constant 128 : i32
    %dma_wait3A_38 = arith.constant 0 : i32
    %dma_wait3A_39 = tpu.memref_slice %arg2[%add3A_28, %dma_wait3A_37, %dma_wait3A_38] : memref<256x256x256xf32, #tpu.memory_space<hbm>> -> memref<1x128x256xf32, #tpu.memory_space<hbm>>
    %dma_wait3A_40 = tpu.memref_squeeze %dma_wait3A_39 : memref<1x128x256xf32, #tpu.memory_space<hbm>> -> memref<128x256xf32, #tpu.memory_space<hbm>>
    %dma_wait3A_41 = arith.constant 128 : i32
    %dma_wait3A_42 = arith.constant 0 : i32
    %dma_wait3A_43 = tpu.memref_slice %arg2[%add3A_28, %dma_wait3A_41, %dma_wait3A_42] : memref<256x256x256xf32, #tpu.memory_space<hbm>> -> memref<1x128x256xf32, #tpu.memory_space<hbm>>
    %dma_wait3A_44 = tpu.memref_squeeze %dma_wait3A_43 : memref<1x128x256xf32, #tpu.memory_space<hbm>> -> memref<128x256xf32, #tpu.memory_space<hbm>>
    tpu.wait_dma2 semaphore(%arg7 : memref<!tpu.dma_semaphore, #tpu.memory_space<semaphore_mem>>) src(%dma_wait3A_44 : memref<128x256xf32, #tpu.memory_space<hbm>>) dst(%arg5 : memref<128x256xf32, #tpu.memory_space<vmem>>)
    %dma_start3A_45 = arith.constant 128 : i32
    %dma_start3A_46 = arith.constant 0 : i32
    %dma_start3A_47 = tpu.memref_slice %arg3[%add3A_28, %dma_start3A_45, %dma_start3A_46] : memref<256x256x256xf32, #tpu.memory_space<hbm>> -> memref<1x128x256xf32, #tpu.memory_space<hbm>>
    %dma_start3A_48 = tpu.memref_squeeze %dma_start3A_47 : memref<1x128x256xf32, #tpu.memory_space<hbm>> -> memref<128x256xf32, #tpu.memory_space<hbm>>
    %dma_start3A_49 = arith.constant 128 : i32
    %dma_start3A_50 = arith.constant 0 : i32
    %dma_start3A_51 = tpu.memref_slice %arg3[%add3A_28, %dma_start3A_49, %dma_start3A_50] : memref<256x256x256xf32, #tpu.memory_space<hbm>> -> memref<1x128x256xf32, #tpu.memory_space<hbm>>
    %dma_start3A_52 = tpu.memref_squeeze %dma_start3A_51 : memref<1x128x256xf32, #tpu.memory_space<hbm>> -> memref<128x256xf32, #tpu.memory_space<hbm>>
    tpu.enqueue_dma source(%arg5 : memref<128x256xf32, #tpu.memory_space<vmem>>) target(%dma_start3A_52 : memref<128x256xf32, #tpu.memory_space<hbm>>) target_semaphore(%arg9 : memref<!tpu.dma_semaphore, #tpu.memory_space<semaphore_mem>>)
    %add3A_53 = arith.constant 1 : i32
    %add3A_54 = arith.addi %mul3A_2, %add3A_53 : i32
    %dma_wait3A_55 = arith.constant 0 : i32
    %dma_wait3A_56 = arith.constant 0 : i32
    %dma_wait3A_57 = tpu.memref_slice %arg3[%add3A_4, %dma_wait3A_55, %dma_wait3A_56] : memref<256x256x256xf32, #tpu.memory_space<hbm>> -> memref<1x128x256xf32, #tpu.memory_space<hbm>>
    %dma_wait3A_58 = tpu.memref_squeeze %dma_wait3A_57 : memref<1x128x256xf32, #tpu.memory_space<hbm>> -> memref<128x256xf32, #tpu.memory_space<hbm>>
    %dma_wait3A_59 = arith.constant 0 : i32
    %dma_wait3A_60 = arith.constant 0 : i32
    %dma_wait3A_61 = tpu.memref_slice %arg3[%add3A_4, %dma_wait3A_59, %dma_wait3A_60] : memref<256x256x256xf32, #tpu.memory_space<hbm>> -> memref<1x128x256xf32, #tpu.memory_space<hbm>>
    %dma_wait3A_62 = tpu.memref_squeeze %dma_wait3A_61 : memref<1x128x256xf32, #tpu.memory_space<hbm>> -> memref<128x256xf32, #tpu.memory_space<hbm>>
    tpu.wait_dma2 semaphore(%arg8 : memref<!tpu.dma_semaphore, #tpu.memory_space<semaphore_mem>>) src(%arg4 : memref<128x256xf32, #tpu.memory_space<vmem>>) dst(%dma_wait3A_62 : memref<128x256xf32, #tpu.memory_space<hbm>>)
    %dma_start3A_63 = arith.constant 0 : i32
    %dma_start3A_64 = arith.constant 0 : i32
    %dma_start3A_65 = tpu.memref_slice %arg2[%add3A_54, %dma_start3A_63, %dma_start3A_64] : memref<256x256x256xf32, #tpu.memory_space<hbm>> -> memref<1x128x256xf32, #tpu.memory_space<hbm>>
    %dma_start3A_66 = tpu.memref_squeeze %dma_start3A_65 : memref<1x128x256xf32, #tpu.memory_space<hbm>> -> memref<128x256xf32, #tpu.memory_space<hbm>>
    %dma_start3A_67 = arith.constant 0 : i32
    %dma_start3A_68 = arith.constant 0 : i32
    %dma_start3A_69 = tpu.memref_slice %arg2[%add3A_54, %dma_start3A_67, %dma_start3A_68] : memref<256x256x256xf32, #tpu.memory_space<hbm>> -> memref<1x128x256xf32, #tpu.memory_space<hbm>>
    %dma_start3A_70 = tpu.memref_squeeze %dma_start3A_69 : memref<1x128x256xf32, #tpu.memory_space<hbm>> -> memref<128x256xf32, #tpu.memory_space<hbm>>
    tpu.enqueue_dma source(%dma_start3A_70 : memref<128x256xf32, #tpu.memory_space<hbm>>) target(%arg4 : memref<128x256xf32, #tpu.memory_space<vmem>>) target_semaphore(%arg6 : memref<!tpu.dma_semaphore, #tpu.memory_space<semaphore_mem>>)
    %dma_wait3A_71 = arith.constant 0 : i32
    %dma_wait3A_72 = arith.constant 0 : i32
    %dma_wait3A_73 = tpu.memref_slice %arg2[%add3A_54, %dma_wait3A_71, %dma_wait3A_72] : memref<256x256x256xf32, #tpu.memory_space<hbm>> -> memref<1x128x256xf32, #tpu.memory_space<hbm>>
    %dma_wait3A_74 = tpu.memref_squeeze %dma_wait3A_73 : memref<1x128x256xf32, #tpu.memory_space<hbm>> -> memref<128x256xf32, #tpu.memory_space<hbm>>
    %dma_wait3A_75 = arith.constant 0 : i32
    %dma_wait3A_76 = arith.constant 0 : i32
    %dma_wait3A_77 = tpu.memref_slice %arg2[%add3A_54, %dma_wait3A_75, %dma_wait3A_76] : memref<256x256x256xf32, #tpu.memory_space<hbm>> -> memref<1x128x256xf32, #tpu.memory_space<hbm>>
    %dma_wait3A_78 = tpu.memref_squeeze %dma_wait3A_77 : memref<1x128x256xf32, #tpu.memory_space<hbm>> -> memref<128x256xf32, #tpu.memory_space<hbm>>
    tpu.wait_dma2 semaphore(%arg6 : memref<!tpu.dma_semaphore, #tpu.memory_space<semaphore_mem>>) src(%dma_wait3A_78 : memref<128x256xf32, #tpu.memory_space<hbm>>) dst(%arg4 : memref<128x256xf32, #tpu.memory_space<vmem>>)
    %dma_start3A_79 = arith.constant 0 : i32
    %dma_start3A_80 = arith.constant 0 : i32
    %dma_start3A_81 = tpu.memref_slice %arg3[%add3A_54, %dma_start3A_79, %dma_start3A_80] : memref<256x256x256xf32, #tpu.memory_space<hbm>> -> memref<1x128x256xf32, #tpu.memory_space<hbm>>
    %dma_start3A_82 = tpu.memref_squeeze %dma_start3A_81 : memref<1x128x256xf32, #tpu.memory_space<hbm>> -> memref<128x256xf32, #tpu.memory_space<hbm>>
    %dma_start3A_83 = arith.constant 0 : i32
    %dma_start3A_84 = arith.constant 0 : i32
    %dma_start3A_85 = tpu.memref_slice %arg3[%add3A_54, %dma_start3A_83, %dma_start3A_84] : memref<256x256x256xf32, #tpu.memory_space<hbm>> -> memref<1x128x256xf32, #tpu.memory_space<hbm>>
    %dma_start3A_86 = tpu.memref_squeeze %dma_start3A_85 : memref<1x128x256xf32, #tpu.memory_space<hbm>> -> memref<128x256xf32, #tpu.memory_space<hbm>>
    tpu.enqueue_dma source(%arg4 : memref<128x256xf32, #tpu.memory_space<vmem>>) target(%dma_start3A_86 : memref<128x256xf32, #tpu.memory_space<hbm>>) target_semaphore(%arg8 : memref<!tpu.dma_semaphore, #tpu.memory_space<semaphore_mem>>)
    %add3A_87 = arith.constant 1 : i32
    %add3A_88 = arith.addi %mul3A_2, %add3A_87 : i32
    %dma_wait3A_89 = arith.constant 128 : i32
    %dma_wait3A_90 = arith.constant 0 : i32
    %dma_wait3A_91 = tpu.memref_slice %arg3[%add3A_28, %dma_wait3A_89, %dma_wait3A_90] : memref<256x256x256xf32, #tpu.memory_space<hbm>> -> memref<1x128x256xf32, #tpu.memory_space<hbm>>
    %dma_wait3A_92 = tpu.memref_squeeze %dma_wait3A_91 : memref<1x128x256xf32, #tpu.memory_space<hbm>> -> memref<128x256xf32, #tpu.memory_space<hbm>>
    %dma_wait3A_93 = arith.constant 128 : i32
    %dma_wait3A_94 = arith.constant 0 : i32
    %dma_wait3A_95 = tpu.memref_slice %arg3[%add3A_28, %dma_wait3A_93, %dma_wait3A_94] : memref<256x256x256xf32, #tpu.memory_space<hbm>> -> memref<1x128x256xf32, #tpu.memory_space<hbm>>
    %dma_wait3A_96 = tpu.memref_squeeze %dma_wait3A_95 : memref<1x128x256xf32, #tpu.memory_space<hbm>> -> memref<128x256xf32, #tpu.memory_space<hbm>>
    tpu.wait_dma2 semaphore(%arg9 : memref<!tpu.dma_semaphore, #tpu.memory_space<semaphore_mem>>) src(%arg5 : memref<128x256xf32, #tpu.memory_space<vmem>>) dst(%dma_wait3A_96 : memref<128x256xf32, #tpu.memory_space<hbm>>)
    %dma_start3A_97 = arith.constant 128 : i32
    %dma_start3A_98 = arith.constant 0 : i32
    %dma_start3A_99 = tpu.memref_slice %arg2[%add3A_88, %dma_start3A_97, %dma_start3A_98] : memref<256x256x256xf32, #tpu.memory_space<hbm>> -> memref<1x128x256xf32, #tpu.memory_space<hbm>>
    %dma_start3A_100 = tpu.memref_squeeze %dma_start3A_99 : memref<1x128x256xf32, #tpu.memory_space<hbm>> -> memref<128x256xf32, #tpu.memory_space<hbm>>
    %dma_start3A_101 = arith.constant 128 : i32
    %dma_start3A_102 = arith.constant 0 : i32
    %dma_start3A_103 = tpu.memref_slice %arg2[%add3A_88, %dma_start3A_101, %dma_start3A_102] : memref<256x256x256xf32, #tpu.memory_space<hbm>> -> memref<1x128x256xf32, #tpu.memory_space<hbm>>
    %dma_start3A_104 = tpu.memref_squeeze %dma_start3A_103 : memref<1x128x256xf32, #tpu.memory_space<hbm>> -> memref<128x256xf32, #tpu.memory_space<hbm>>
    tpu.enqueue_dma source(%dma_start3A_104 : memref<128x256xf32, #tpu.memory_space<hbm>>) target(%arg5 : memref<128x256xf32, #tpu.memory_space<vmem>>) target_semaphore(%arg7 : memref<!tpu.dma_semaphore, #tpu.memory_space<semaphore_mem>>)
    %dma_wait3A_105 = arith.constant 128 : i32
    %dma_wait3A_106 = arith.constant 0 : i32
    %dma_wait3A_107 = tpu.memref_slice %arg2[%add3A_88, %dma_wait3A_105, %dma_wait3A_106] : memref<256x256x256xf32, #tpu.memory_space<hbm>> -> memref<1x128x256xf32, #tpu.memory_space<hbm>>
    %dma_wait3A_108 = tpu.memref_squeeze %dma_wait3A_107 : memref<1x128x256xf32, #tpu.memory_space<hbm>> -> memref<128x256xf32, #tpu.memory_space<hbm>>
    %dma_wait3A_109 = arith.constant 128 : i32
    %dma_wait3A_110 = arith.constant 0 : i32
    %dma_wait3A_111 = tpu.memref_slice %arg2[%add3A_88, %dma_wait3A_109, %dma_wait3A_110] : memref<256x256x256xf32, #tpu.memory_space<hbm>> -> memref<1x128x256xf32, #tpu.memory_space<hbm>>
    %dma_wait3A_112 = tpu.memref_squeeze %dma_wait3A_111 : memref<1x128x256xf32, #tpu.memory_space<hbm>> -> memref<128x256xf32, #tpu.memory_space<hbm>>
    tpu.wait_dma2 semaphore(%arg7 : memref<!tpu.dma_semaphore, #tpu.memory_space<semaphore_mem>>) src(%dma_wait3A_112 : memref<128x256xf32, #tpu.memory_space<hbm>>) dst(%arg5 : memref<128x256xf32, #tpu.memory_space<vmem>>)
    %dma_start3A_113 = arith.constant 128 : i32
    %dma_start3A_114 = arith.constant 0 : i32
    %dma_start3A_115 = tpu.memref_slice %arg3[%add3A_88, %dma_start3A_113, %dma_start3A_114] : memref<256x256x256xf32, #tpu.memory_space<hbm>> -> memref<1x128x256xf32, #tpu.memory_space<hbm>>
    %dma_start3A_116 = tpu.memref_squeeze %dma_start3A_115 : memref<1x128x256xf32, #tpu.memory_space<hbm>> -> memref<128x256xf32, #tpu.memory_space<hbm>>
    %dma_start3A_117 = arith.constant 128 : i32
    %dma_start3A_118 = arith.constant 0 : i32
    %dma_start3A_119 = tpu.memref_slice %arg3[%add3A_88, %dma_start3A_117, %dma_start3A_118] : memref<256x256x256xf32, #tpu.memory_space<hbm>> -> memref<1x128x256xf32, #tpu.memory_space<hbm>>
    %dma_start3A_120 = tpu.memref_squeeze %dma_start3A_119 : memref<1x128x256xf32, #tpu.memory_space<hbm>> -> memref<128x256xf32, #tpu.memory_space<hbm>>
    tpu.enqueue_dma source(%arg5 : memref<128x256xf32, #tpu.memory_space<vmem>>) target(%dma_start3A_120 : memref<128x256xf32, #tpu.memory_space<hbm>>) target_semaphore(%arg9 : memref<!tpu.dma_semaphore, #tpu.memory_space<semaphore_mem>>)
    %add3A_121 = arith.constant 2 : i32
    %add3A_122 = arith.addi %mul3A_2, %add3A_121 : i32
    %dma_wait3A_123 = arith.constant 0 : i32
    %dma_wait3A_124 = arith.constant 0 : i32
    %dma_wait3A_125 = tpu.memref_slice %arg3[%add3A_54, %dma_wait3A_123, %dma_wait3A_124] : memref<256x256x256xf32, #tpu.memory_space<hbm>> -> memref<1x128x256xf32, #tpu.memory_space<hbm>>
    %dma_wait3A_126 = tpu.memref_squeeze %dma_wait3A_125 : memref<1x128x256xf32, #tpu.memory_space<hbm>> -> memref<128x256xf32, #tpu.memory_space<hbm>>
    %dma_wait3A_127 = arith.constant 0 : i32
    %dma_wait3A_128 = arith.constant 0 : i32
    %dma_wait3A_129 = tpu.memref_slice %arg3[%add3A_54, %dma_wait3A_127, %dma_wait3A_128] : memref<256x256x256xf32, #tpu.memory_space<hbm>> -> memref<1x128x256xf32, #tpu.memory_space<hbm>>
    %dma_wait3A_130 = tpu.memref_squeeze %dma_wait3A_129 : memref<1x128x256xf32, #tpu.memory_space<hbm>> -> memref<128x256xf32, #tpu.memory_space<hbm>>
    tpu.wait_dma2 semaphore(%arg8 : memref<!tpu.dma_semaphore, #tpu.memory_space<semaphore_mem>>) src(%arg4 : memref<128x256xf32, #tpu.memory_space<vmem>>) dst(%dma_wait3A_130 : memref<128x256xf32, #tpu.memory_space<hbm>>)
    %dma_start3A_131 = arith.constant 0 : i32
    %dma_start3A_132 = arith.constant 0 : i32
    %dma_start3A_133 = tpu.memref_slice %arg2[%add3A_122, %dma_start3A_131, %dma_start3A_132] : memref<256x256x256xf32, #tpu.memory_space<hbm>> -> memref<1x128x256xf32, #tpu.memory_space<hbm>>
    %dma_start3A_134 = tpu.memref_squeeze %dma_start3A_133 : memref<1x128x256xf32, #tpu.memory_space<hbm>> -> memref<128x256xf32, #tpu.memory_space<hbm>>
    %dma_start3A_135 = arith.constant 0 : i32
    %dma_start3A_136 = arith.constant 0 : i32
    %dma_start3A_137 = tpu.memref_slice %arg2[%add3A_122, %dma_start3A_135, %dma_start3A_136] : memref<256x256x256xf32, #tpu.memory_space<hbm>> -> memref<1x128x256xf32, #tpu.memory_space<hbm>>
    %dma_start3A_138 = tpu.memref_squeeze %dma_start3A_137 : memref<1x128x256xf32, #tpu.memory_space<hbm>> -> memref<128x256xf32, #tpu.memory_space<hbm>>
    tpu.enqueue_dma source(%dma_start3A_138 : memref<128x256xf32, #tpu.memory_space<hbm>>) target(%arg4 : memref<128x256xf32, #tpu.memory_space<vmem>>) target_semaphore(%arg6 : memref<!tpu.dma_semaphore, #tpu.memory_space<semaphore_mem>>)
    %dma_wait3A_139 = arith.constant 0 : i32
    %dma_wait3A_140 = arith.constant 0 : i32
    %dma_wait3A_141 = tpu.memref_slice %arg2[%add3A_122, %dma_wait3A_139, %dma_wait3A_140] : memref<256x256x256xf32, #tpu.memory_space<hbm>> -> memref<1x128x256xf32, #tpu.memory_space<hbm>>
    %dma_wait3A_142 = tpu.memref_squeeze %dma_wait3A_141 : memref<1x128x256xf32, #tpu.memory_space<hbm>> -> memref<128x256xf32, #tpu.memory_space<hbm>>
    %dma_wait3A_143 = arith.constant 0 : i32
    %dma_wait3A_144 = arith.constant 0 : i32
    %dma_wait3A_145 = tpu.memref_slice %arg2[%add3A_122, %dma_wait3A_143, %dma_wait3A_144] : memref<256x256x256xf32, #tpu.memory_space<hbm>> -> memref<1x128x256xf32, #tpu.memory_space<hbm>>
    %dma_wait3A_146 = tpu.memref_squeeze %dma_wait3A_145 : memref<1x128x256xf32, #tpu.memory_space<hbm>> -> memref<128x256xf32, #tpu.memory_space<hbm>>
    tpu.wait_dma2 semaphore(%arg6 : memref<!tpu.dma_semaphore, #tpu.memory_space<semaphore_mem>>) src(%dma_wait3A_146 : memref<128x256xf32, #tpu.memory_space<hbm>>) dst(%arg4 : memref<128x256xf32, #tpu.memory_space<vmem>>)
    %dma_start3A_147 = arith.constant 0 : i32
    %dma_start3A_148 = arith.constant 0 : i32
    %dma_start3A_149 = tpu.memref_slice %arg3[%add3A_122, %dma_start3A_147, %dma_start3A_148] : memref<256x256x256xf32, #tpu.memory_space<hbm>> -> memref<1x128x256xf32, #tpu.memory_space<hbm>>
    %dma_start3A_150 = tpu.memref_squeeze %dma_start3A_149 : memref<1x128x256xf32, #tpu.memory_space<hbm>> -> memref<128x256xf32, #tpu.memory_space<hbm>>
    %dma_start3A_151 = arith.constant 0 : i32
    %dma_start3A_152 = arith.constant 0 : i32
    %dma_start3A_153 = tpu.memref_slice %arg3[%add3A_122, %dma_start3A_151, %dma_start3A_152] : memref<256x256x256xf32, #tpu.memory_space<hbm>> -> memref<1x128x256xf32, #tpu.memory_space<hbm>>
    %dma_start3A_154 = tpu.memref_squeeze %dma_start3A_153 : memref<1x128x256xf32, #tpu.memory_space<hbm>> -> memref<128x256xf32, #tpu.memory_space<hbm>>
    tpu.enqueue_dma source(%arg4 : memref<128x256xf32, #tpu.memory_space<vmem>>) target(%dma_start3A_154 : memref<128x256xf32, #tpu.memory_space<hbm>>) target_semaphore(%arg8 : memref<!tpu.dma_semaphore, #tpu.memory_space<semaphore_mem>>)
    %add3A_155 = arith.constant 2 : i32
    %add3A_156 = arith.addi %mul3A_2, %add3A_155 : i32
    %dma_wait3A_157 = arith.constant 128 : i32
    %dma_wait3A_158 = arith.constant 0 : i32
    %dma_wait3A_159 = tpu.memref_slice %arg3[%add3A_88, %dma_wait3A_157, %dma_wait3A_158] : memref<256x256x256xf32, #tpu.memory_space<hbm>> -> memref<1x128x256xf32, #tpu.memory_space<hbm>>
    %dma_wait3A_160 = tpu.memref_squeeze %dma_wait3A_159 : memref<1x128x256xf32, #tpu.memory_space<hbm>> -> memref<128x256xf32, #tpu.memory_space<hbm>>
    %dma_wait3A_161 = arith.constant 128 : i32
    %dma_wait3A_162 = arith.constant 0 : i32
    %dma_wait3A_163 = tpu.memref_slice %arg3[%add3A_88, %dma_wait3A_161, %dma_wait3A_162] : memref<256x256x256xf32, #tpu.memory_space<hbm>> -> memref<1x128x256xf32, #tpu.memory_space<hbm>>
    %dma_wait3A_164 = tpu.memref_squeeze %dma_wait3A_163 : memref<1x128x256xf32, #tpu.memory_space<hbm>> -> memref<128x256xf32, #tpu.memory_space<hbm>>
    tpu.wait_dma2 semaphore(%arg9 : memref<!tpu.dma_semaphore, #tpu.memory_space<semaphore_mem>>) src(%arg5 : memref<128x256xf32, #tpu.memory_space<vmem>>) dst(%dma_wait3A_164 : memref<128x256xf32, #tpu.memory_space<hbm>>)
    %dma_start3A_165 = arith.constant 128 : i32
    %dma_start3A_166 = arith.constant 0 : i32
    %dma_start3A_167 = tpu.memref_slice %arg2[%add3A_156, %dma_start3A_165, %dma_start3A_166] : memref<256x256x256xf32, #tpu.memory_space<hbm>> -> memref<1x128x256xf32, #tpu.memory_space<hbm>>
    %dma_start3A_168 = tpu.memref_squeeze %dma_start3A_167 : memref<1x128x256xf32, #tpu.memory_space<hbm>> -> memref<128x256xf32, #tpu.memory_space<hbm>>
    %dma_start3A_169 = arith.constant 128 : i32
    %dma_start3A_170 = arith.constant 0 : i32
    %dma_start3A_171 = tpu.memref_slice %arg2[%add3A_156, %dma_start3A_169, %dma_start3A_170] : memref<256x256x256xf32, #tpu.memory_space<hbm>> -> memref<1x128x256xf32, #tpu.memory_space<hbm>>
    %dma_start3A_172 = tpu.memref_squeeze %dma_start3A_171 : memref<1x128x256xf32, #tpu.memory_space<hbm>> -> memref<128x256xf32, #tpu.memory_space<hbm>>
    tpu.enqueue_dma source(%dma_start3A_172 : memref<128x256xf32, #tpu.memory_space<hbm>>) target(%arg5 : memref<128x256xf32, #tpu.memory_space<vmem>>) target_semaphore(%arg7 : memref<!tpu.dma_semaphore, #tpu.memory_space<semaphore_mem>>)
    %dma_wait3A_173 = arith.constant 128 : i32
    %dma_wait3A_174 = arith.constant 0 : i32
    %dma_wait3A_175 = tpu.memref_slice %arg2[%add3A_156, %dma_wait3A_173, %dma_wait3A_174] : memref<256x256x256xf32, #tpu.memory_space<hbm>> -> memref<1x128x256xf32, #tpu.memory_space<hbm>>
    %dma_wait3A_176 = tpu.memref_squeeze %dma_wait3A_175 : memref<1x128x256xf32, #tpu.memory_space<hbm>> -> memref<128x256xf32, #tpu.memory_space<hbm>>
    %dma_wait3A_177 = arith.constant 128 : i32
    %dma_wait3A_178 = arith.constant 0 : i32
    %dma_wait3A_179 = tpu.memref_slice %arg2[%add3A_156, %dma_wait3A_177, %dma_wait3A_178] : memref<256x256x256xf32, #tpu.memory_space<hbm>> -> memref<1x128x256xf32, #tpu.memory_space<hbm>>
    %dma_wait3A_180 = tpu.memref_squeeze %dma_wait3A_179 : memref<1x128x256xf32, #tpu.memory_space<hbm>> -> memref<128x256xf32, #tpu.memory_space<hbm>>
    tpu.wait_dma2 semaphore(%arg7 : memref<!tpu.dma_semaphore, #tpu.memory_space<semaphore_mem>>) src(%dma_wait3A_180 : memref<128x256xf32, #tpu.memory_space<hbm>>) dst(%arg5 : memref<128x256xf32, #tpu.memory_space<vmem>>)
    %dma_start3A_181 = arith.constant 128 : i32
    %dma_start3A_182 = arith.constant 0 : i32
    %dma_start3A_183 = tpu.memref_slice %arg3[%add3A_156, %dma_start3A_181, %dma_start3A_182] : memref<256x256x256xf32, #tpu.memory_space<hbm>> -> memref<1x128x256xf32, #tpu.memory_space<hbm>>
    %dma_start3A_184 = tpu.memref_squeeze %dma_start3A_183 : memref<1x128x256xf32, #tpu.memory_space<hbm>> -> memref<128x256xf32, #tpu.memory_space<hbm>>
    %dma_start3A_185 = arith.constant 128 : i32
    %dma_start3A_186 = arith.constant 0 : i32
    %dma_start3A_187 = tpu.memref_slice %arg3[%add3A_156, %dma_start3A_185, %dma_start3A_186] : memref<256x256x256xf32, #tpu.memory_space<hbm>> -> memref<1x128x256xf32, #tpu.memory_space<hbm>>
    %dma_start3A_188 = tpu.memref_squeeze %dma_start3A_187 : memref<1x128x256xf32, #tpu.memory_space<hbm>> -> memref<128x256xf32, #tpu.memory_space<hbm>>
    tpu.enqueue_dma source(%arg5 : memref<128x256xf32, #tpu.memory_space<vmem>>) target(%dma_start3A_188 : memref<128x256xf32, #tpu.memory_space<hbm>>) target_semaphore(%arg9 : memref<!tpu.dma_semaphore, #tpu.memory_space<semaphore_mem>>)
    %add3A_189 = arith.constant 3 : i32
    %add3A_190 = arith.addi %mul3A_2, %add3A_189 : i32
    %dma_wait3A_191 = arith.constant 0 : i32
    %dma_wait3A_192 = arith.constant 0 : i32
    %dma_wait3A_193 = tpu.memref_slice %arg3[%add3A_122, %dma_wait3A_191, %dma_wait3A_192] : memref<256x256x256xf32, #tpu.memory_space<hbm>> -> memref<1x128x256xf32, #tpu.memory_space<hbm>>
    %dma_wait3A_194 = tpu.memref_squeeze %dma_wait3A_193 : memref<1x128x256xf32, #tpu.memory_space<hbm>> -> memref<128x256xf32, #tpu.memory_space<hbm>>
    %dma_wait3A_195 = arith.constant 0 : i32
    %dma_wait3A_196 = arith.constant 0 : i32
    %dma_wait3A_197 = tpu.memref_slice %arg3[%add3A_122, %dma_wait3A_195, %dma_wait3A_196] : memref<256x256x256xf32, #tpu.memory_space<hbm>> -> memref<1x128x256xf32, #tpu.memory_space<hbm>>
    %dma_wait3A_198 = tpu.memref_squeeze %dma_wait3A_197 : memref<1x128x256xf32, #tpu.memory_space<hbm>> -> memref<128x256xf32, #tpu.memory_space<hbm>>
    tpu.wait_dma2 semaphore(%arg8 : memref<!tpu.dma_semaphore, #tpu.memory_space<semaphore_mem>>) src(%arg4 : memref<128x256xf32, #tpu.memory_space<vmem>>) dst(%dma_wait3A_198 : memref<128x256xf32, #tpu.memory_space<hbm>>)
    %dma_start3A_199 = arith.constant 0 : i32
    %dma_start3A_200 = arith.constant 0 : i32
    %dma_start3A_201 = tpu.memref_slice %arg2[%add3A_190, %dma_start3A_199, %dma_start3A_200] : memref<256x256x256xf32, #tpu.memory_space<hbm>> -> memref<1x128x256xf32, #tpu.memory_space<hbm>>
    %dma_start3A_202 = tpu.memref_squeeze %dma_start3A_201 : memref<1x128x256xf32, #tpu.memory_space<hbm>> -> memref<128x256xf32, #tpu.memory_space<hbm>>
    %dma_start3A_203 = arith.constant 0 : i32
    %dma_start3A_204 = arith.constant 0 : i32
    %dma_start3A_205 = tpu.memref_slice %arg2[%add3A_190, %dma_start3A_203, %dma_start3A_204] : memref<256x256x256xf32, #tpu.memory_space<hbm>> -> memref<1x128x256xf32, #tpu.memory_space<hbm>>
    %dma_start3A_206 = tpu.memref_squeeze %dma_start3A_205 : memref<1x128x256xf32, #tpu.memory_space<hbm>> -> memref<128x256xf32, #tpu.memory_space<hbm>>
    tpu.enqueue_dma source(%dma_start3A_206 : memref<128x256xf32, #tpu.memory_space<hbm>>) target(%arg4 : memref<128x256xf32, #tpu.memory_space<vmem>>) target_semaphore(%arg6 : memref<!tpu.dma_semaphore, #tpu.memory_space<semaphore_mem>>)
    %dma_wait3A_207 = arith.constant 0 : i32
    %dma_wait3A_208 = arith.constant 0 : i32
    %dma_wait3A_209 = tpu.memref_slice %arg2[%add3A_190, %dma_wait3A_207, %dma_wait3A_208] : memref<256x256x256xf32, #tpu.memory_space<hbm>> -> memref<1x128x256xf32, #tpu.memory_space<hbm>>
    %dma_wait3A_210 = tpu.memref_squeeze %dma_wait3A_209 : memref<1x128x256xf32, #tpu.memory_space<hbm>> -> memref<128x256xf32, #tpu.memory_space<hbm>>
    %dma_wait3A_211 = arith.constant 0 : i32
    %dma_wait3A_212 = arith.constant 0 : i32
    %dma_wait3A_213 = tpu.memref_slice %arg2[%add3A_190, %dma_wait3A_211, %dma_wait3A_212] : memref<256x256x256xf32, #tpu.memory_space<hbm>> -> memref<1x128x256xf32, #tpu.memory_space<hbm>>
    %dma_wait3A_214 = tpu.memref_squeeze %dma_wait3A_213 : memref<1x128x256xf32, #tpu.memory_space<hbm>> -> memref<128x256xf32, #tpu.memory_space<hbm>>
    tpu.wait_dma2 semaphore(%arg6 : memref<!tpu.dma_semaphore, #tpu.memory_space<semaphore_mem>>) src(%dma_wait3A_214 : memref<128x256xf32, #tpu.memory_space<hbm>>) dst(%arg4 : memref<128x256xf32, #tpu.memory_space<vmem>>)
    %dma_start3A_215 = arith.constant 0 : i32
    %dma_start3A_216 = arith.constant 0 : i32
    %dma_start3A_217 = tpu.memref_slice %arg3[%add3A_190, %dma_start3A_215, %dma_start3A_216] : memref<256x256x256xf32, #tpu.memory_space<hbm>> -> memref<1x128x256xf32, #tpu.memory_space<hbm>>
    %dma_start3A_218 = tpu.memref_squeeze %dma_start3A_217 : memref<1x128x256xf32, #tpu.memory_space<hbm>> -> memref<128x256xf32, #tpu.memory_space<hbm>>
    %dma_start3A_219 = arith.constant 0 : i32
    %dma_start3A_220 = arith.constant 0 : i32
    %dma_start3A_221 = tpu.memref_slice %arg3[%add3A_190, %dma_start3A_219, %dma_start3A_220] : memref<256x256x256xf32, #tpu.memory_space<hbm>> -> memref<1x128x256xf32, #tpu.memory_space<hbm>>
    %dma_start3A_222 = tpu.memref_squeeze %dma_start3A_221 : memref<1x128x256xf32, #tpu.memory_space<hbm>> -> memref<128x256xf32, #tpu.memory_space<hbm>>
    tpu.enqueue_dma source(%arg4 : memref<128x256xf32, #tpu.memory_space<vmem>>) target(%dma_start3A_222 : memref<128x256xf32, #tpu.memory_space<hbm>>) target_semaphore(%arg8 : memref<!tpu.dma_semaphore, #tpu.memory_space<semaphore_mem>>)
    %add3A_223 = arith.constant 3 : i32
    %add3A_224 = arith.addi %mul3A_2, %add3A_223 : i32
    %dma_wait3A_225 = arith.constant 128 : i32
    %dma_wait3A_226 = arith.constant 0 : i32
    %dma_wait3A_227 = tpu.memref_slice %arg3[%add3A_156, %dma_wait3A_225, %dma_wait3A_226] : memref<256x256x256xf32, #tpu.memory_space<hbm>> -> memref<1x128x256xf32, #tpu.memory_space<hbm>>
    %dma_wait3A_228 = tpu.memref_squeeze %dma_wait3A_227 : memref<1x128x256xf32, #tpu.memory_space<hbm>> -> memref<128x256xf32, #tpu.memory_space<hbm>>
    %dma_wait3A_229 = arith.constant 128 : i32
    %dma_wait3A_230 = arith.constant 0 : i32
    %dma_wait3A_231 = tpu.memref_slice %arg3[%add3A_156, %dma_wait3A_229, %dma_wait3A_230] : memref<256x256x256xf32, #tpu.memory_space<hbm>> -> memref<1x128x256xf32, #tpu.memory_space<hbm>>
    %dma_wait3A_232 = tpu.memref_squeeze %dma_wait3A_231 : memref<1x128x256xf32, #tpu.memory_space<hbm>> -> memref<128x256xf32, #tpu.memory_space<hbm>>
    tpu.wait_dma2 semaphore(%arg9 : memref<!tpu.dma_semaphore, #tpu.memory_space<semaphore_mem>>) src(%arg5 : memref<128x256xf32, #tpu.memory_space<vmem>>) dst(%dma_wait3A_232 : memref<128x256xf32, #tpu.memory_space<hbm>>)
    %dma_start3A_233 = arith.constant 128 : i32
    %dma_start3A_234 = arith.constant 0 : i32
    %dma_start3A_235 = tpu.memref_slice %arg2[%add3A_224, %dma_start3A_233, %dma_start3A_234] : memref<256x256x256xf32, #tpu.memory_space<hbm>> -> memref<1x128x256xf32, #tpu.memory_space<hbm>>
    %dma_start3A_236 = tpu.memref_squeeze %dma_start3A_235 : memref<1x128x256xf32, #tpu.memory_space<hbm>> -> memref<128x256xf32, #tpu.memory_space<hbm>>
    %dma_start3A_237 = arith.constant 128 : i32
    %dma_start3A_238 = arith.constant 0 : i32
    %dma_start3A_239 = tpu.memref_slice %arg2[%add3A_224, %dma_start3A_237, %dma_start3A_238] : memref<256x256x256xf32, #tpu.memory_space<hbm>> -> memref<1x128x256xf32, #tpu.memory_space<hbm>>
    %dma_start3A_240 = tpu.memref_squeeze %dma_start3A_239 : memref<1x128x256xf32, #tpu.memory_space<hbm>> -> memref<128x256xf32, #tpu.memory_space<hbm>>
    tpu.enqueue_dma source(%dma_start3A_240 : memref<128x256xf32, #tpu.memory_space<hbm>>) target(%arg5 : memref<128x256xf32, #tpu.memory_space<vmem>>) target_semaphore(%arg7 : memref<!tpu.dma_semaphore, #tpu.memory_space<semaphore_mem>>)
    %dma_wait3A_241 = arith.constant 128 : i32
    %dma_wait3A_242 = arith.constant 0 : i32
    %dma_wait3A_243 = tpu.memref_slice %arg2[%add3A_224, %dma_wait3A_241, %dma_wait3A_242] : memref<256x256x256xf32, #tpu.memory_space<hbm>> -> memref<1x128x256xf32, #tpu.memory_space<hbm>>
    %dma_wait3A_244 = tpu.memref_squeeze %dma_wait3A_243 : memref<1x128x256xf32, #tpu.memory_space<hbm>> -> memref<128x256xf32, #tpu.memory_space<hbm>>
    %dma_wait3A_245 = arith.constant 128 : i32
    %dma_wait3A_246 = arith.constant 0 : i32
    %dma_wait3A_247 = tpu.memref_slice %arg2[%add3A_224, %dma_wait3A_245, %dma_wait3A_246] : memref<256x256x256xf32, #tpu.memory_space<hbm>> -> memref<1x128x256xf32, #tpu.memory_space<hbm>>
    %dma_wait3A_248 = tpu.memref_squeeze %dma_wait3A_247 : memref<1x128x256xf32, #tpu.memory_space<hbm>> -> memref<128x256xf32, #tpu.memory_space<hbm>>
    tpu.wait_dma2 semaphore(%arg7 : memref<!tpu.dma_semaphore, #tpu.memory_space<semaphore_mem>>) src(%dma_wait3A_248 : memref<128x256xf32, #tpu.memory_space<hbm>>) dst(%arg5 : memref<128x256xf32, #tpu.memory_space<vmem>>)
    %dma_start3A_249 = arith.constant 128 : i32
    %dma_start3A_250 = arith.constant 0 : i32
    %dma_start3A_251 = tpu.memref_slice %arg3[%add3A_224, %dma_start3A_249, %dma_start3A_250] : memref<256x256x256xf32, #tpu.memory_space<hbm>> -> memref<1x128x256xf32, #tpu.memory_space<hbm>>
    %dma_start3A_252 = tpu.memref_squeeze %dma_start3A_251 : memref<1x128x256xf32, #tpu.memory_space<hbm>> -> memref<128x256xf32, #tpu.memory_space<hbm>>
    %dma_start3A_253 = arith.constant 128 : i32
    %dma_start3A_254 = arith.constant 0 : i32
    %dma_start3A_255 = tpu.memref_slice %arg3[%add3A_224, %dma_start3A_253, %dma_start3A_254] : memref<256x256x256xf32, #tpu.memory_space<hbm>> -> memref<1x128x256xf32, #tpu.memory_space<hbm>>
    %dma_start3A_256 = tpu.memref_squeeze %dma_start3A_255 : memref<1x128x256xf32, #tpu.memory_space<hbm>> -> memref<128x256xf32, #tpu.memory_space<hbm>>
    tpu.enqueue_dma source(%arg5 : memref<128x256xf32, #tpu.memory_space<vmem>>) target(%dma_start3A_256 : memref<128x256xf32, #tpu.memory_space<hbm>>) target_semaphore(%arg9 : memref<!tpu.dma_semaphore, #tpu.memory_space<semaphore_mem>>)
    %add3A_257 = arith.constant 4 : i32
    %add3A_258 = arith.addi %mul3A_2, %add3A_257 : i32
    %dma_wait3A_259 = arith.constant 0 : i32
    %dma_wait3A_260 = arith.constant 0 : i32
    %dma_wait3A_261 = tpu.memref_slice %arg3[%add3A_190, %dma_wait3A_259, %dma_wait3A_260] : memref<256x256x256xf32, #tpu.memory_space<hbm>> -> memref<1x128x256xf32, #tpu.memory_space<hbm>>
    %dma_wait3A_262 = tpu.memref_squeeze %dma_wait3A_261 : memref<1x128x256xf32, #tpu.memory_space<hbm>> -> memref<128x256xf32, #tpu.memory_space<hbm>>
    %dma_wait3A_263 = arith.constant 0 : i32
    %dma_wait3A_264 = arith.constant 0 : i32
    %dma_wait3A_265 = tpu.memref_slice %arg3[%add3A_190, %dma_wait3A_263, %dma_wait3A_264] : memref<256x256x256xf32, #tpu.memory_space<hbm>> -> memref<1x128x256xf32, #tpu.memory_space<hbm>>
    %dma_wait3A_266 = tpu.memref_squeeze %dma_wait3A_265 : memref<1x128x256xf32, #tpu.memory_space<hbm>> -> memref<128x256xf32, #tpu.memory_space<hbm>>
    tpu.wait_dma2 semaphore(%arg8 : memref<!tpu.dma_semaphore, #tpu.memory_space<semaphore_mem>>) src(%arg4 : memref<128x256xf32, #tpu.memory_space<vmem>>) dst(%dma_wait3A_266 : memref<128x256xf32, #tpu.memory_space<hbm>>)
    %dma_start3A_267 = arith.constant 0 : i32
    %dma_start3A_268 = arith.constant 0 : i32
    %dma_start3A_269 = tpu.memref_slice %arg2[%add3A_258, %dma_start3A_267, %dma_start3A_268] : memref<256x256x256xf32, #tpu.memory_space<hbm>> -> memref<1x128x256xf32, #tpu.memory_space<hbm>>
    %dma_start3A_270 = tpu.memref_squeeze %dma_start3A_269 : memref<1x128x256xf32, #tpu.memory_space<hbm>> -> memref<128x256xf32, #tpu.memory_space<hbm>>
    %dma_start3A_271 = arith.constant 0 : i32
    %dma_start3A_272 = arith.constant 0 : i32
    %dma_start3A_273 = tpu.memref_slice %arg2[%add3A_258, %dma_start3A_271, %dma_start3A_272] : memref<256x256x256xf32, #tpu.memory_space<hbm>> -> memref<1x128x256xf32, #tpu.memory_space<hbm>>
    %dma_start3A_274 = tpu.memref_squeeze %dma_start3A_273 : memref<1x128x256xf32, #tpu.memory_space<hbm>> -> memref<128x256xf32, #tpu.memory_space<hbm>>
    tpu.enqueue_dma source(%dma_start3A_274 : memref<128x256xf32, #tpu.memory_space<hbm>>) target(%arg4 : memref<128x256xf32, #tpu.memory_space<vmem>>) target_semaphore(%arg6 : memref<!tpu.dma_semaphore, #tpu.memory_space<semaphore_mem>>)
    %dma_wait3A_275 = arith.constant 0 : i32
    %dma_wait3A_276 = arith.constant 0 : i32
    %dma_wait3A_277 = tpu.memref_slice %arg2[%add3A_258, %dma_wait3A_275, %dma_wait3A_276] : memref<256x256x256xf32, #tpu.memory_space<hbm>> -> memref<1x128x256xf32, #tpu.memory_space<hbm>>
    %dma_wait3A_278 = tpu.memref_squeeze %dma_wait3A_277 : memref<1x128x256xf32, #tpu.memory_space<hbm>> -> memref<128x256xf32, #tpu.memory_space<hbm>>
    %dma_wait3A_279 = arith.constant 0 : i32
    %dma_wait3A_280 = arith.constant 0 : i32
    %dma_wait3A_281 = tpu.memref_slice %arg2[%add3A_258, %dma_wait3A_279, %dma_wait3A_280] : memref<256x256x256xf32, #tpu.memory_space<hbm>> -> memref<1x128x256xf32, #tpu.memory_space<hbm>>
    %dma_wait3A_282 = tpu.memref_squeeze %dma_wait3A_281 : memref<1x128x256xf32, #tpu.memory_space<hbm>> -> memref<128x256xf32, #tpu.memory_space<hbm>>
    tpu.wait_dma2 semaphore(%arg6 : memref<!tpu.dma_semaphore, #tpu.memory_space<semaphore_mem>>) src(%dma_wait3A_282 : memref<128x256xf32, #tpu.memory_space<hbm>>) dst(%arg4 : memref<128x256xf32, #tpu.memory_space<vmem>>)
    %dma_start3A_283 = arith.constant 0 : i32
    %dma_start3A_284 = arith.constant 0 : i32
    %dma_start3A_285 = tpu.memref_slice %arg3[%add3A_258, %dma_start3A_283, %dma_start3A_284] : memref<256x256x256xf32, #tpu.memory_space<hbm>> -> memref<1x128x256xf32, #tpu.memory_space<hbm>>
    %dma_start3A_286 = tpu.memref_squeeze %dma_start3A_285 : memref<1x128x256xf32, #tpu.memory_space<hbm>> -> memref<128x256xf32, #tpu.memory_space<hbm>>
    %dma_start3A_287 = arith.constant 0 : i32
    %dma_start3A_288 = arith.constant 0 : i32
    %dma_start3A_289 = tpu.memref_slice %arg3[%add3A_258, %dma_start3A_287, %dma_start3A_288] : memref<256x256x256xf32, #tpu.memory_space<hbm>> -> memref<1x128x256xf32, #tpu.memory_space<hbm>>
    %dma_start3A_290 = tpu.memref_squeeze %dma_start3A_289 : memref<1x128x256xf32, #tpu.memory_space<hbm>> -> memref<128x256xf32, #tpu.memory_space<hbm>>
    tpu.enqueue_dma source(%arg4 : memref<128x256xf32, #tpu.memory_space<vmem>>) target(%dma_start3A_290 : memref<128x256xf32, #tpu.memory_space<hbm>>) target_semaphore(%arg8 : memref<!tpu.dma_semaphore, #tpu.memory_space<semaphore_mem>>)
    %add3A_291 = arith.constant 4 : i32
    %add3A_292 = arith.addi %mul3A_2, %add3A_291 : i32
    %dma_wait3A_293 = arith.constant 128 : i32
    %dma_wait3A_294 = arith.constant 0 : i32
    %dma_wait3A_295 = tpu.memref_slice %arg3[%add3A_224, %dma_wait3A_293, %dma_wait3A_294] : memref<256x256x256xf32, #tpu.memory_space<hbm>> -> memref<1x128x256xf32, #tpu.memory_space<hbm>>
    %dma_wait3A_296 = tpu.memref_squeeze %dma_wait3A_295 : memref<1x128x256xf32, #tpu.memory_space<hbm>> -> memref<128x256xf32, #tpu.memory_space<hbm>>
    %dma_wait3A_297 = arith.constant 128 : i32
    %dma_wait3A_298 = arith.constant 0 : i32
    %dma_wait3A_299 = tpu.memref_slice %arg3[%add3A_224, %dma_wait3A_297, %dma_wait3A_298] : memref<256x256x256xf32, #tpu.memory_space<hbm>> -> memref<1x128x256xf32, #tpu.memory_space<hbm>>
    %dma_wait3A_300 = tpu.memref_squeeze %dma_wait3A_299 : memref<1x128x256xf32, #tpu.memory_space<hbm>> -> memref<128x256xf32, #tpu.memory_space<hbm>>
    tpu.wait_dma2 semaphore(%arg9 : memref<!tpu.dma_semaphore, #tpu.memory_space<semaphore_mem>>) src(%arg5 : memref<128x256xf32, #tpu.memory_space<vmem>>) dst(%dma_wait3A_300 : memref<128x256xf32, #tpu.memory_space<hbm>>)
    %dma_start3A_301 = arith.constant 128 : i32
    %dma_start3A_302 = arith.constant 0 : i32
    %dma_start3A_303 = tpu.memref_slice %arg2[%add3A_292, %dma_start3A_301, %dma_start3A_302] : memref<256x256x256xf32, #tpu.memory_space<hbm>> -> memref<1x128x256xf32, #tpu.memory_space<hbm>>
    %dma_start3A_304 = tpu.memref_squeeze %dma_start3A_303 : memref<1x128x256xf32, #tpu.memory_space<hbm>> -> memref<128x256xf32, #tpu.memory_space<hbm>>
    %dma_start3A_305 = arith.constant 128 : i32
    %dma_start3A_306 = arith.constant 0 : i32
    %dma_start3A_307 = tpu.memref_slice %arg2[%add3A_292, %dma_start3A_305, %dma_start3A_306] : memref<256x256x256xf32, #tpu.memory_space<hbm>> -> memref<1x128x256xf32, #tpu.memory_space<hbm>>
    %dma_start3A_308 = tpu.memref_squeeze %dma_start3A_307 : memref<1x128x256xf32, #tpu.memory_space<hbm>> -> memref<128x256xf32, #tpu.memory_space<hbm>>
    tpu.enqueue_dma source(%dma_start3A_308 : memref<128x256xf32, #tpu.memory_space<hbm>>) target(%arg5 : memref<128x256xf32, #tpu.memory_space<vmem>>) target_semaphore(%arg7 : memref<!tpu.dma_semaphore, #tpu.memory_space<semaphore_mem>>)
    %dma_wait3A_309 = arith.constant 128 : i32
    %dma_wait3A_310 = arith.constant 0 : i32
    %dma_wait3A_311 = tpu.memref_slice %arg2[%add3A_292, %dma_wait3A_309, %dma_wait3A_310] : memref<256x256x256xf32, #tpu.memory_space<hbm>> -> memref<1x128x256xf32, #tpu.memory_space<hbm>>
    %dma_wait3A_312 = tpu.memref_squeeze %dma_wait3A_311 : memref<1x128x256xf32, #tpu.memory_space<hbm>> -> memref<128x256xf32, #tpu.memory_space<hbm>>
    %dma_wait3A_313 = arith.constant 128 : i32
    %dma_wait3A_314 = arith.constant 0 : i32
    %dma_wait3A_315 = tpu.memref_slice %arg2[%add3A_292, %dma_wait3A_313, %dma_wait3A_314] : memref<256x256x256xf32, #tpu.memory_space<hbm>> -> memref<1x128x256xf32, #tpu.memory_space<hbm>>
    %dma_wait3A_316 = tpu.memref_squeeze %dma_wait3A_315 : memref<1x128x256xf32, #tpu.memory_space<hbm>> -> memref<128x256xf32, #tpu.memory_space<hbm>>
    tpu.wait_dma2 semaphore(%arg7 : memref<!tpu.dma_semaphore, #tpu.memory_space<semaphore_mem>>) src(%dma_wait3A_316 : memref<128x256xf32, #tpu.memory_space<hbm>>) dst(%arg5 : memref<128x256xf32, #tpu.memory_space<vmem>>)
    %dma_start3A_317 = arith.constant 128 : i32
    %dma_start3A_318 = arith.constant 0 : i32
    %dma_start3A_319 = tpu.memref_slice %arg3[%add3A_292, %dma_start3A_317, %dma_start3A_318] : memref<256x256x256xf32, #tpu.memory_space<hbm>> -> memref<1x128x256xf32, #tpu.memory_space<hbm>>
    %dma_start3A_320 = tpu.memref_squeeze %dma_start3A_319 : memref<1x128x256xf32, #tpu.memory_space<hbm>> -> memref<128x256xf32, #tpu.memory_space<hbm>>
    %dma_start3A_321 = arith.constant 128 : i32
    %dma_start3A_322 = arith.constant 0 : i32
    %dma_start3A_323 = tpu.memref_slice %arg3[%add3A_292, %dma_start3A_321, %dma_start3A_322] : memref<256x256x256xf32, #tpu.memory_space<hbm>> -> memref<1x128x256xf32, #tpu.memory_space<hbm>>
    %dma_start3A_324 = tpu.memref_squeeze %dma_start3A_323 : memref<1x128x256xf32, #tpu.memory_space<hbm>> -> memref<128x256xf32, #tpu.memory_space<hbm>>
    tpu.enqueue_dma source(%arg5 : memref<128x256xf32, #tpu.memory_space<vmem>>) target(%dma_start3A_324 : memref<128x256xf32, #tpu.memory_space<hbm>>) target_semaphore(%arg9 : memref<!tpu.dma_semaphore, #tpu.memory_space<semaphore_mem>>)
    %add3A_325 = arith.constant 5 : i32
    %add3A_326 = arith.addi %mul3A_2, %add3A_325 : i32
    %dma_wait3A_327 = arith.constant 0 : i32
    %dma_wait3A_328 = arith.constant 0 : i32
    %dma_wait3A_329 = tpu.memref_slice %arg3[%add3A_258, %dma_wait3A_327, %dma_wait3A_328] : memref<256x256x256xf32, #tpu.memory_space<hbm>> -> memref<1x128x256xf32, #tpu.memory_space<hbm>>
    %dma_wait3A_330 = tpu.memref_squeeze %dma_wait3A_329 : memref<1x128x256xf32, #tpu.memory_space<hbm>> -> memref<128x256xf32, #tpu.memory_space<hbm>>
    %dma_wait3A_331 = arith.constant 0 : i32
    %dma_wait3A_332 = arith.constant 0 : i32
    %dma_wait3A_333 = tpu.memref_slice %arg3[%add3A_258, %dma_wait3A_331, %dma_wait3A_332] : memref<256x256x256xf32, #tpu.memory_space<hbm>> -> memref<1x128x256xf32, #tpu.memory_space<hbm>>
    %dma_wait3A_334 = tpu.memref_squeeze %dma_wait3A_333 : memref<1x128x256xf32, #tpu.memory_space<hbm>> -> memref<128x256xf32, #tpu.memory_space<hbm>>
    tpu.wait_dma2 semaphore(%arg8 : memref<!tpu.dma_semaphore, #tpu.memory_space<semaphore_mem>>) src(%arg4 : memref<128x256xf32, #tpu.memory_space<vmem>>) dst(%dma_wait3A_334 : memref<128x256xf32, #tpu.memory_space<hbm>>)
    %dma_start3A_335 = arith.constant 0 : i32
    %dma_start3A_336 = arith.constant 0 : i32
    %dma_start3A_337 = tpu.memref_slice %arg2[%add3A_326, %dma_start3A_335, %dma_start3A_336] : memref<256x256x256xf32, #tpu.memory_space<hbm>> -> memref<1x128x256xf32, #tpu.memory_space<hbm>>
    %dma_start3A_338 = tpu.memref_squeeze %dma_start3A_337 : memref<1x128x256xf32, #tpu.memory_space<hbm>> -> memref<128x256xf32, #tpu.memory_space<hbm>>
    %dma_start3A_339 = arith.constant 0 : i32
    %dma_start3A_340 = arith.constant 0 : i32
    %dma_start3A_341 = tpu.memref_slice %arg2[%add3A_326, %dma_start3A_339, %dma_start3A_340] : memref<256x256x256xf32, #tpu.memory_space<hbm>> -> memref<1x128x256xf32, #tpu.memory_space<hbm>>
    %dma_start3A_342 = tpu.memref_squeeze %dma_start3A_341 : memref<1x128x256xf32, #tpu.memory_space<hbm>> -> memref<128x256xf32, #tpu.memory_space<hbm>>
    tpu.enqueue_dma source(%dma_start3A_342 : memref<128x256xf32, #tpu.memory_space<hbm>>) target(%arg4 : memref<128x256xf32, #tpu.memory_space<vmem>>) target_semaphore(%arg6 : memref<!tpu.dma_semaphore, #tpu.memory_space<semaphore_mem>>)
    %dma_wait3A_343 = arith.constant 0 : i32
    %dma_wait3A_344 = arith.constant 0 : i32
    %dma_wait3A_345 = tpu.memref_slice %arg2[%add3A_326, %dma_wait3A_343, %dma_wait3A_344] : memref<256x256x256xf32, #tpu.memory_space<hbm>> -> memref<1x128x256xf32, #tpu.memory_space<hbm>>
    %dma_wait3A_346 = tpu.memref_squeeze %dma_wait3A_345 : memref<1x128x256xf32, #tpu.memory_space<hbm>> -> memref<128x256xf32, #tpu.memory_space<hbm>>
    %dma_wait3A_347 = arith.constant 0 : i32
    %dma_wait3A_348 = arith.constant 0 : i32
    %dma_wait3A_349 = tpu.memref_slice %arg2[%add3A_326, %dma_wait3A_347, %dma_wait3A_348] : memref<256x256x256xf32, #tpu.memory_space<hbm>> -> memref<1x128x256xf32, #tpu.memory_space<hbm>>
    %dma_wait3A_350 = tpu.memref_squeeze %dma_wait3A_349 : memref<1x128x256xf32, #tpu.memory_space<hbm>> -> memref<128x256xf32, #tpu.memory_space<hbm>>
    tpu.wait_dma2 semaphore(%arg6 : memref<!tpu.dma_semaphore, #tpu.memory_space<semaphore_mem>>) src(%dma_wait3A_350 : memref<128x256xf32, #tpu.memory_space<hbm>>) dst(%arg4 : memref<128x256xf32, #tpu.memory_space<vmem>>)
    %dma_start3A_351 = arith.constant 0 : i32
    %dma_start3A_352 = arith.constant 0 : i32
    %dma_start3A_353 = tpu.memref_slice %arg3[%add3A_326, %dma_start3A_351, %dma_start3A_352] : memref<256x256x256xf32, #tpu.memory_space<hbm>> -> memref<1x128x256xf32, #tpu.memory_space<hbm>>
    %dma_start3A_354 = tpu.memref_squeeze %dma_start3A_353 : memref<1x128x256xf32, #tpu.memory_space<hbm>> -> memref<128x256xf32, #tpu.memory_space<hbm>>
    %dma_start3A_355 = arith.constant 0 : i32
    %dma_start3A_356 = arith.constant 0 : i32
    %dma_start3A_357 = tpu.memref_slice %arg3[%add3A_326, %dma_start3A_355, %dma_start3A_356] : memref<256x256x256xf32, #tpu.memory_space<hbm>> -> memref<1x128x256xf32, #tpu.memory_space<hbm>>
    %dma_start3A_358 = tpu.memref_squeeze %dma_start3A_357 : memref<1x128x256xf32, #tpu.memory_space<hbm>> -> memref<128x256xf32, #tpu.memory_space<hbm>>
    tpu.enqueue_dma source(%arg4 : memref<128x256xf32, #tpu.memory_space<vmem>>) target(%dma_start3A_358 : memref<128x256xf32, #tpu.memory_space<hbm>>) target_semaphore(%arg8 : memref<!tpu.dma_semaphore, #tpu.memory_space<semaphore_mem>>)
    %add3A_359 = arith.constant 5 : i32
    %add3A_360 = arith.addi %mul3A_2, %add3A_359 : i32
    %dma_wait3A_361 = arith.constant 128 : i32
    %dma_wait3A_362 = arith.constant 0 : i32
    %dma_wait3A_363 = tpu.memref_slice %arg3[%add3A_292, %dma_wait3A_361, %dma_wait3A_362] : memref<256x256x256xf32, #tpu.memory_space<hbm>> -> memref<1x128x256xf32, #tpu.memory_space<hbm>>
    %dma_wait3A_364 = tpu.memref_squeeze %dma_wait3A_363 : memref<1x128x256xf32, #tpu.memory_space<hbm>> -> memref<128x256xf32, #tpu.memory_space<hbm>>
    %dma_wait3A_365 = arith.constant 128 : i32
    %dma_wait3A_366 = arith.constant 0 : i32
    %dma_wait3A_367 = tpu.memref_slice %arg3[%add3A_292, %dma_wait3A_365, %dma_wait3A_366] : memref<256x256x256xf32, #tpu.memory_space<hbm>> -> memref<1x128x256xf32, #tpu.memory_space<hbm>>
    %dma_wait3A_368 = tpu.memref_squeeze %dma_wait3A_367 : memref<1x128x256xf32, #tpu.memory_space<hbm>> -> memref<128x256xf32, #tpu.memory_space<hbm>>
    tpu.wait_dma2 semaphore(%arg9 : memref<!tpu.dma_semaphore, #tpu.memory_space<semaphore_mem>>) src(%arg5 : memref<128x256xf32, #tpu.memory_space<vmem>>) dst(%dma_wait3A_368 : memref<128x256xf32, #tpu.memory_space<hbm>>)
    %dma_start3A_369 = arith.constant 128 : i32
    %dma_start3A_370 = arith.constant 0 : i32
    %dma_start3A_371 = tpu.memref_slice %arg2[%add3A_360, %dma_start3A_369, %dma_start3A_370] : memref<256x256x256xf32, #tpu.memory_space<hbm>> -> memref<1x128x256xf32, #tpu.memory_space<hbm>>
    %dma_start3A_372 = tpu.memref_squeeze %dma_start3A_371 : memref<1x128x256xf32, #tpu.memory_space<hbm>> -> memref<128x256xf32, #tpu.memory_space<hbm>>
    %dma_start3A_373 = arith.constant 128 : i32
    %dma_start3A_374 = arith.constant 0 : i32
    %dma_start3A_375 = tpu.memref_slice %arg2[%add3A_360, %dma_start3A_373, %dma_start3A_374] : memref<256x256x256xf32, #tpu.memory_space<hbm>> -> memref<1x128x256xf32, #tpu.memory_space<hbm>>
    %dma_start3A_376 = tpu.memref_squeeze %dma_start3A_375 : memref<1x128x256xf32, #tpu.memory_space<hbm>> -> memref<128x256xf32, #tpu.memory_space<hbm>>
    tpu.enqueue_dma source(%dma_start3A_376 : memref<128x256xf32, #tpu.memory_space<hbm>>) target(%arg5 : memref<128x256xf32, #tpu.memory_space<vmem>>) target_semaphore(%arg7 : memref<!tpu.dma_semaphore, #tpu.memory_space<semaphore_mem>>)
    %dma_wait3A_377 = arith.constant 128 : i32
    %dma_wait3A_378 = arith.constant 0 : i32
    %dma_wait3A_379 = tpu.memref_slice %arg2[%add3A_360, %dma_wait3A_377, %dma_wait3A_378] : memref<256x256x256xf32, #tpu.memory_space<hbm>> -> memref<1x128x256xf32, #tpu.memory_space<hbm>>
    %dma_wait3A_380 = tpu.memref_squeeze %dma_wait3A_379 : memref<1x128x256xf32, #tpu.memory_space<hbm>> -> memref<128x256xf32, #tpu.memory_space<hbm>>
    %dma_wait3A_381 = arith.constant 128 : i32
    %dma_wait3A_382 = arith.constant 0 : i32
    %dma_wait3A_383 = tpu.memref_slice %arg2[%add3A_360, %dma_wait3A_381, %dma_wait3A_382] : memref<256x256x256xf32, #tpu.memory_space<hbm>> -> memref<1x128x256xf32, #tpu.memory_space<hbm>>
    %dma_wait3A_384 = tpu.memref_squeeze %dma_wait3A_383 : memref<1x128x256xf32, #tpu.memory_space<hbm>> -> memref<128x256xf32, #tpu.memory_space<hbm>>
    tpu.wait_dma2 semaphore(%arg7 : memref<!tpu.dma_semaphore, #tpu.memory_space<semaphore_mem>>) src(%dma_wait3A_384 : memref<128x256xf32, #tpu.memory_space<hbm>>) dst(%arg5 : memref<128x256xf32, #tpu.memory_space<vmem>>)
    %dma_start3A_385 = arith.constant 128 : i32
    %dma_start3A_386 = arith.constant 0 : i32
    %dma_start3A_387 = tpu.memref_slice %arg3[%add3A_360, %dma_start3A_385, %dma_start3A_386] : memref<256x256x256xf32, #tpu.memory_space<hbm>> -> memref<1x128x256xf32, #tpu.memory_space<hbm>>
    %dma_start3A_388 = tpu.memref_squeeze %dma_start3A_387 : memref<1x128x256xf32, #tpu.memory_space<hbm>> -> memref<128x256xf32, #tpu.memory_space<hbm>>
    %dma_start3A_389 = arith.constant 128 : i32
    %dma_start3A_390 = arith.constant 0 : i32
    %dma_start3A_391 = tpu.memref_slice %arg3[%add3A_360, %dma_start3A_389, %dma_start3A_390] : memref<256x256x256xf32, #tpu.memory_space<hbm>> -> memref<1x128x256xf32, #tpu.memory_space<hbm>>
    %dma_start3A_392 = tpu.memref_squeeze %dma_start3A_391 : memref<1x128x256xf32, #tpu.memory_space<hbm>> -> memref<128x256xf32, #tpu.memory_space<hbm>>
    tpu.enqueue_dma source(%arg5 : memref<128x256xf32, #tpu.memory_space<vmem>>) target(%dma_start3A_392 : memref<128x256xf32, #tpu.memory_space<hbm>>) target_semaphore(%arg9 : memref<!tpu.dma_semaphore, #tpu.memory_space<semaphore_mem>>)
    %add3A_393 = arith.constant 6 : i32
    %add3A_394 = arith.addi %mul3A_2, %add3A_393 : i32
    %dma_wait3A_395 = arith.constant 0 : i32
    %dma_wait3A_396 = arith.constant 0 : i32
    %dma_wait3A_397 = tpu.memref_slice %arg3[%add3A_326, %dma_wait3A_395, %dma_wait3A_396] : memref<256x256x256xf32, #tpu.memory_space<hbm>> -> memref<1x128x256xf32, #tpu.memory_space<hbm>>
    %dma_wait3A_398 = tpu.memref_squeeze %dma_wait3A_397 : memref<1x128x256xf32, #tpu.memory_space<hbm>> -> memref<128x256xf32, #tpu.memory_space<hbm>>
    %dma_wait3A_399 = arith.constant 0 : i32
    %dma_wait3A_400 = arith.constant 0 : i32
    %dma_wait3A_401 = tpu.memref_slice %arg3[%add3A_326, %dma_wait3A_399, %dma_wait3A_400] : memref<256x256x256xf32, #tpu.memory_space<hbm>> -> memref<1x128x256xf32, #tpu.memory_space<hbm>>
    %dma_wait3A_402 = tpu.memref_squeeze %dma_wait3A_401 : memref<1x128x256xf32, #tpu.memory_space<hbm>> -> memref<128x256xf32, #tpu.memory_space<hbm>>
    tpu.wait_dma2 semaphore(%arg8 : memref<!tpu.dma_semaphore, #tpu.memory_space<semaphore_mem>>) src(%arg4 : memref<128x256xf32, #tpu.memory_space<vmem>>) dst(%dma_wait3A_402 : memref<128x256xf32, #tpu.memory_space<hbm>>)
    %dma_start3A_403 = arith.constant 0 : i32
    %dma_start3A_404 = arith.constant 0 : i32
    %dma_start3A_405 = tpu.memref_slice %arg2[%add3A_394, %dma_start3A_403, %dma_start3A_404] : memref<256x256x256xf32, #tpu.memory_space<hbm>> -> memref<1x128x256xf32, #tpu.memory_space<hbm>>
    %dma_start3A_406 = tpu.memref_squeeze %dma_start3A_405 : memref<1x128x256xf32, #tpu.memory_space<hbm>> -> memref<128x256xf32, #tpu.memory_space<hbm>>
    %dma_start3A_407 = arith.constant 0 : i32
    %dma_start3A_408 = arith.constant 0 : i32
    %dma_start3A_409 = tpu.memref_slice %arg2[%add3A_394, %dma_start3A_407, %dma_start3A_408] : memref<256x256x256xf32, #tpu.memory_space<hbm>> -> memref<1x128x256xf32, #tpu.memory_space<hbm>>
    %dma_start3A_410 = tpu.memref_squeeze %dma_start3A_409 : memref<1x128x256xf32, #tpu.memory_space<hbm>> -> memref<128x256xf32, #tpu.memory_space<hbm>>
    tpu.enqueue_dma source(%dma_start3A_410 : memref<128x256xf32, #tpu.memory_space<hbm>>) target(%arg4 : memref<128x256xf32, #tpu.memory_space<vmem>>) target_semaphore(%arg6 : memref<!tpu.dma_semaphore, #tpu.memory_space<semaphore_mem>>)
    %dma_wait3A_411 = arith.constant 0 : i32
    %dma_wait3A_412 = arith.constant 0 : i32
    %dma_wait3A_413 = tpu.memref_slice %arg2[%add3A_394, %dma_wait3A_411, %dma_wait3A_412] : memref<256x256x256xf32, #tpu.memory_space<hbm>> -> memref<1x128x256xf32, #tpu.memory_space<hbm>>
    %dma_wait3A_414 = tpu.memref_squeeze %dma_wait3A_413 : memref<1x128x256xf32, #tpu.memory_space<hbm>> -> memref<128x256xf32, #tpu.memory_space<hbm>>
    %dma_wait3A_415 = arith.constant 0 : i32
    %dma_wait3A_416 = arith.constant 0 : i32
    %dma_wait3A_417 = tpu.memref_slice %arg2[%add3A_394, %dma_wait3A_415, %dma_wait3A_416] : memref<256x256x256xf32, #tpu.memory_space<hbm>> -> memref<1x128x256xf32, #tpu.memory_space<hbm>>
    %dma_wait3A_418 = tpu.memref_squeeze %dma_wait3A_417 : memref<1x128x256xf32, #tpu.memory_space<hbm>> -> memref<128x256xf32, #tpu.memory_space<hbm>>
    tpu.wait_dma2 semaphore(%arg6 : memref<!tpu.dma_semaphore, #tpu.memory_space<semaphore_mem>>) src(%dma_wait3A_418 : memref<128x256xf32, #tpu.memory_space<hbm>>) dst(%arg4 : memref<128x256xf32, #tpu.memory_space<vmem>>)
    %dma_start3A_419 = arith.constant 0 : i32
    %dma_start3A_420 = arith.constant 0 : i32
    %dma_start3A_421 = tpu.memref_slice %arg3[%add3A_394, %dma_start3A_419, %dma_start3A_420] : memref<256x256x256xf32, #tpu.memory_space<hbm>> -> memref<1x128x256xf32, #tpu.memory_space<hbm>>
    %dma_start3A_422 = tpu.memref_squeeze %dma_start3A_421 : memref<1x128x256xf32, #tpu.memory_space<hbm>> -> memref<128x256xf32, #tpu.memory_space<hbm>>
    %dma_start3A_423 = arith.constant 0 : i32
    %dma_start3A_424 = arith.constant 0 : i32
    %dma_start3A_425 = tpu.memref_slice %arg3[%add3A_394, %dma_start3A_423, %dma_start3A_424] : memref<256x256x256xf32, #tpu.memory_space<hbm>> -> memref<1x128x256xf32, #tpu.memory_space<hbm>>
    %dma_start3A_426 = tpu.memref_squeeze %dma_start3A_425 : memref<1x128x256xf32, #tpu.memory_space<hbm>> -> memref<128x256xf32, #tpu.memory_space<hbm>>
    tpu.enqueue_dma source(%arg4 : memref<128x256xf32, #tpu.memory_space<vmem>>) target(%dma_start3A_426 : memref<128x256xf32, #tpu.memory_space<hbm>>) target_semaphore(%arg8 : memref<!tpu.dma_semaphore, #tpu.memory_space<semaphore_mem>>)
    %add3A_427 = arith.constant 6 : i32
    %add3A_428 = arith.addi %mul3A_2, %add3A_427 : i32
    %dma_wait3A_429 = arith.constant 128 : i32
    %dma_wait3A_430 = arith.constant 0 : i32
    %dma_wait3A_431 = tpu.memref_slice %arg3[%add3A_360, %dma_wait3A_429, %dma_wait3A_430] : memref<256x256x256xf32, #tpu.memory_space<hbm>> -> memref<1x128x256xf32, #tpu.memory_space<hbm>>
    %dma_wait3A_432 = tpu.memref_squeeze %dma_wait3A_431 : memref<1x128x256xf32, #tpu.memory_space<hbm>> -> memref<128x256xf32, #tpu.memory_space<hbm>>
    %dma_wait3A_433 = arith.constant 128 : i32
    %dma_wait3A_434 = arith.constant 0 : i32
    %dma_wait3A_435 = tpu.memref_slice %arg3[%add3A_360, %dma_wait3A_433, %dma_wait3A_434] : memref<256x256x256xf32, #tpu.memory_space<hbm>> -> memref<1x128x256xf32, #tpu.memory_space<hbm>>
    %dma_wait3A_436 = tpu.memref_squeeze %dma_wait3A_435 : memref<1x128x256xf32, #tpu.memory_space<hbm>> -> memref<128x256xf32, #tpu.memory_space<hbm>>
    tpu.wait_dma2 semaphore(%arg9 : memref<!tpu.dma_semaphore, #tpu.memory_space<semaphore_mem>>) src(%arg5 : memref<128x256xf32, #tpu.memory_space<vmem>>) dst(%dma_wait3A_436 : memref<128x256xf32, #tpu.memory_space<hbm>>)
    %dma_start3A_437 = arith.constant 128 : i32
    %dma_start3A_438 = arith.constant 0 : i32
    %dma_start3A_439 = tpu.memref_slice %arg2[%add3A_428, %dma_start3A_437, %dma_start3A_438] : memref<256x256x256xf32, #tpu.memory_space<hbm>> -> memref<1x128x256xf32, #tpu.memory_space<hbm>>
    %dma_start3A_440 = tpu.memref_squeeze %dma_start3A_439 : memref<1x128x256xf32, #tpu.memory_space<hbm>> -> memref<128x256xf32, #tpu.memory_space<hbm>>
    %dma_start3A_441 = arith.constant 128 : i32
    %dma_start3A_442 = arith.constant 0 : i32
    %dma_start3A_443 = tpu.memref_slice %arg2[%add3A_428, %dma_start3A_441, %dma_start3A_442] : memref<256x256x256xf32, #tpu.memory_space<hbm>> -> memref<1x128x256xf32, #tpu.memory_space<hbm>>
    %dma_start3A_444 = tpu.memref_squeeze %dma_start3A_443 : memref<1x128x256xf32, #tpu.memory_space<hbm>> -> memref<128x256xf32, #tpu.memory_space<hbm>>
    tpu.enqueue_dma source(%dma_start3A_444 : memref<128x256xf32, #tpu.memory_space<hbm>>) target(%arg5 : memref<128x256xf32, #tpu.memory_space<vmem>>) target_semaphore(%arg7 : memref<!tpu.dma_semaphore, #tpu.memory_space<semaphore_mem>>)
    %dma_wait3A_445 = arith.constant 128 : i32
    %dma_wait3A_446 = arith.constant 0 : i32
    %dma_wait3A_447 = tpu.memref_slice %arg2[%add3A_428, %dma_wait3A_445, %dma_wait3A_446] : memref<256x256x256xf32, #tpu.memory_space<hbm>> -> memref<1x128x256xf32, #tpu.memory_space<hbm>>
    %dma_wait3A_448 = tpu.memref_squeeze %dma_wait3A_447 : memref<1x128x256xf32, #tpu.memory_space<hbm>> -> memref<128x256xf32, #tpu.memory_space<hbm>>
    %dma_wait3A_449 = arith.constant 128 : i32
    %dma_wait3A_450 = arith.constant 0 : i32
    %dma_wait3A_451 = tpu.memref_slice %arg2[%add3A_428, %dma_wait3A_449, %dma_wait3A_450] : memref<256x256x256xf32, #tpu.memory_space<hbm>> -> memref<1x128x256xf32, #tpu.memory_space<hbm>>
    %dma_wait3A_452 = tpu.memref_squeeze %dma_wait3A_451 : memref<1x128x256xf32, #tpu.memory_space<hbm>> -> memref<128x256xf32, #tpu.memory_space<hbm>>
    tpu.wait_dma2 semaphore(%arg7 : memref<!tpu.dma_semaphore, #tpu.memory_space<semaphore_mem>>) src(%dma_wait3A_452 : memref<128x256xf32, #tpu.memory_space<hbm>>) dst(%arg5 : memref<128x256xf32, #tpu.memory_space<vmem>>)
    %dma_start3A_453 = arith.constant 128 : i32
    %dma_start3A_454 = arith.constant 0 : i32
    %dma_start3A_455 = tpu.memref_slice %arg3[%add3A_428, %dma_start3A_453, %dma_start3A_454] : memref<256x256x256xf32, #tpu.memory_space<hbm>> -> memref<1x128x256xf32, #tpu.memory_space<hbm>>
    %dma_start3A_456 = tpu.memref_squeeze %dma_start3A_455 : memref<1x128x256xf32, #tpu.memory_space<hbm>> -> memref<128x256xf32, #tpu.memory_space<hbm>>
    %dma_start3A_457 = arith.constant 128 : i32
    %dma_start3A_458 = arith.constant 0 : i32
    %dma_start3A_459 = tpu.memref_slice %arg3[%add3A_428, %dma_start3A_457, %dma_start3A_458] : memref<256x256x256xf32, #tpu.memory_space<hbm>> -> memref<1x128x256xf32, #tpu.memory_space<hbm>>
    %dma_start3A_460 = tpu.memref_squeeze %dma_start3A_459 : memref<1x128x256xf32, #tpu.memory_space<hbm>> -> memref<128x256xf32, #tpu.memory_space<hbm>>
    tpu.enqueue_dma source(%arg5 : memref<128x256xf32, #tpu.memory_space<vmem>>) target(%dma_start3A_460 : memref<128x256xf32, #tpu.memory_space<hbm>>) target_semaphore(%arg9 : memref<!tpu.dma_semaphore, #tpu.memory_space<semaphore_mem>>)
    %add3A_461 = arith.constant 7 : i32
    %add3A_462 = arith.addi %mul3A_2, %add3A_461 : i32
    %dma_wait3A_463 = arith.constant 0 : i32
    %dma_wait3A_464 = arith.constant 0 : i32
    %dma_wait3A_465 = tpu.memref_slice %arg3[%add3A_394, %dma_wait3A_463, %dma_wait3A_464] : memref<256x256x256xf32, #tpu.memory_space<hbm>> -> memref<1x128x256xf32, #tpu.memory_space<hbm>>
    %dma_wait3A_466 = tpu.memref_squeeze %dma_wait3A_465 : memref<1x128x256xf32, #tpu.memory_space<hbm>> -> memref<128x256xf32, #tpu.memory_space<hbm>>
    %dma_wait3A_467 = arith.constant 0 : i32
    %dma_wait3A_468 = arith.constant 0 : i32
    %dma_wait3A_469 = tpu.memref_slice %arg3[%add3A_394, %dma_wait3A_467, %dma_wait3A_468] : memref<256x256x256xf32, #tpu.memory_space<hbm>> -> memref<1x128x256xf32, #tpu.memory_space<hbm>>
    %dma_wait3A_470 = tpu.memref_squeeze %dma_wait3A_469 : memref<1x128x256xf32, #tpu.memory_space<hbm>> -> memref<128x256xf32, #tpu.memory_space<hbm>>
    tpu.wait_dma2 semaphore(%arg8 : memref<!tpu.dma_semaphore, #tpu.memory_space<semaphore_mem>>) src(%arg4 : memref<128x256xf32, #tpu.memory_space<vmem>>) dst(%dma_wait3A_470 : memref<128x256xf32, #tpu.memory_space<hbm>>)
    %dma_start3A_471 = arith.constant 0 : i32
    %dma_start3A_472 = arith.constant 0 : i32
    %dma_start3A_473 = tpu.memref_slice %arg2[%add3A_462, %dma_start3A_471, %dma_start3A_472] : memref<256x256x256xf32, #tpu.memory_space<hbm>> -> memref<1x128x256xf32, #tpu.memory_space<hbm>>
    %dma_start3A_474 = tpu.memref_squeeze %dma_start3A_473 : memref<1x128x256xf32, #tpu.memory_space<hbm>> -> memref<128x256xf32, #tpu.memory_space<hbm>>
    %dma_start3A_475 = arith.constant 0 : i32
    %dma_start3A_476 = arith.constant 0 : i32
    %dma_start3A_477 = tpu.memref_slice %arg2[%add3A_462, %dma_start3A_475, %dma_start3A_476] : memref<256x256x256xf32, #tpu.memory_space<hbm>> -> memref<1x128x256xf32, #tpu.memory_space<hbm>>
    %dma_start3A_478 = tpu.memref_squeeze %dma_start3A_477 : memref<1x128x256xf32, #tpu.memory_space<hbm>> -> memref<128x256xf32, #tpu.memory_space<hbm>>
    tpu.enqueue_dma source(%dma_start3A_478 : memref<128x256xf32, #tpu.memory_space<hbm>>) target(%arg4 : memref<128x256xf32, #tpu.memory_space<vmem>>) target_semaphore(%arg6 : memref<!tpu.dma_semaphore, #tpu.memory_space<semaphore_mem>>)
    %dma_wait3A_479 = arith.constant 0 : i32
    %dma_wait3A_480 = arith.constant 0 : i32
    %dma_wait3A_481 = tpu.memref_slice %arg2[%add3A_462, %dma_wait3A_479, %dma_wait3A_480] : memref<256x256x256xf32, #tpu.memory_space<hbm>> -> memref<1x128x256xf32, #tpu.memory_space<hbm>>
    %dma_wait3A_482 = tpu.memref_squeeze %dma_wait3A_481 : memref<1x128x256xf32, #tpu.memory_space<hbm>> -> memref<128x256xf32, #tpu.memory_space<hbm>>
    %dma_wait3A_483 = arith.constant 0 : i32
    %dma_wait3A_484 = arith.constant 0 : i32
    %dma_wait3A_485 = tpu.memref_slice %arg2[%add3A_462, %dma_wait3A_483, %dma_wait3A_484] : memref<256x256x256xf32, #tpu.memory_space<hbm>> -> memref<1x128x256xf32, #tpu.memory_space<hbm>>
    %dma_wait3A_486 = tpu.memref_squeeze %dma_wait3A_485 : memref<1x128x256xf32, #tpu.memory_space<hbm>> -> memref<128x256xf32, #tpu.memory_space<hbm>>
    tpu.wait_dma2 semaphore(%arg6 : memref<!tpu.dma_semaphore, #tpu.memory_space<semaphore_mem>>) src(%dma_wait3A_486 : memref<128x256xf32, #tpu.memory_space<hbm>>) dst(%arg4 : memref<128x256xf32, #tpu.memory_space<vmem>>)
    %dma_start3A_487 = arith.constant 0 : i32
    %dma_start3A_488 = arith.constant 0 : i32
    %dma_start3A_489 = tpu.memref_slice %arg3[%add3A_462, %dma_start3A_487, %dma_start3A_488] : memref<256x256x256xf32, #tpu.memory_space<hbm>> -> memref<1x128x256xf32, #tpu.memory_space<hbm>>
    %dma_start3A_490 = tpu.memref_squeeze %dma_start3A_489 : memref<1x128x256xf32, #tpu.memory_space<hbm>> -> memref<128x256xf32, #tpu.memory_space<hbm>>
    %dma_start3A_491 = arith.constant 0 : i32
    %dma_start3A_492 = arith.constant 0 : i32
    %dma_start3A_493 = tpu.memref_slice %arg3[%add3A_462, %dma_start3A_491, %dma_start3A_492] : memref<256x256x256xf32, #tpu.memory_space<hbm>> -> memref<1x128x256xf32, #tpu.memory_space<hbm>>
    %dma_start3A_494 = tpu.memref_squeeze %dma_start3A_493 : memref<1x128x256xf32, #tpu.memory_space<hbm>> -> memref<128x256xf32, #tpu.memory_space<hbm>>
    tpu.enqueue_dma source(%arg4 : memref<128x256xf32, #tpu.memory_space<vmem>>) target(%dma_start3A_494 : memref<128x256xf32, #tpu.memory_space<hbm>>) target_semaphore(%arg8 : memref<!tpu.dma_semaphore, #tpu.memory_space<semaphore_mem>>)
    %add3A_495 = arith.constant 7 : i32
    %add3A_496 = arith.addi %mul3A_2, %add3A_495 : i32
    %dma_wait3A_497 = arith.constant 128 : i32
    %dma_wait3A_498 = arith.constant 0 : i32
    %dma_wait3A_499 = tpu.memref_slice %arg3[%add3A_428, %dma_wait3A_497, %dma_wait3A_498] : memref<256x256x256xf32, #tpu.memory_space<hbm>> -> memref<1x128x256xf32, #tpu.memory_space<hbm>>
    %dma_wait3A_500 = tpu.memref_squeeze %dma_wait3A_499 : memref<1x128x256xf32, #tpu.memory_space<hbm>> -> memref<128x256xf32, #tpu.memory_space<hbm>>
    %dma_wait3A_501 = arith.constant 128 : i32
    %dma_wait3A_502 = arith.constant 0 : i32
    %dma_wait3A_503 = tpu.memref_slice %arg3[%add3A_428, %dma_wait3A_501, %dma_wait3A_502] : memref<256x256x256xf32, #tpu.memory_space<hbm>> -> memref<1x128x256xf32, #tpu.memory_space<hbm>>
    %dma_wait3A_504 = tpu.memref_squeeze %dma_wait3A_503 : memref<1x128x256xf32, #tpu.memory_space<hbm>> -> memref<128x256xf32, #tpu.memory_space<hbm>>
    tpu.wait_dma2 semaphore(%arg9 : memref<!tpu.dma_semaphore, #tpu.memory_space<semaphore_mem>>) src(%arg5 : memref<128x256xf32, #tpu.memory_space<vmem>>) dst(%dma_wait3A_504 : memref<128x256xf32, #tpu.memory_space<hbm>>)
    %dma_start3A_505 = arith.constant 128 : i32
    %dma_start3A_506 = arith.constant 0 : i32
    %dma_start3A_507 = tpu.memref_slice %arg2[%add3A_496, %dma_start3A_505, %dma_start3A_506] : memref<256x256x256xf32, #tpu.memory_space<hbm>> -> memref<1x128x256xf32, #tpu.memory_space<hbm>>
    %dma_start3A_508 = tpu.memref_squeeze %dma_start3A_507 : memref<1x128x256xf32, #tpu.memory_space<hbm>> -> memref<128x256xf32, #tpu.memory_space<hbm>>
    %dma_start3A_509 = arith.constant 128 : i32
    %dma_start3A_510 = arith.constant 0 : i32
    %dma_start3A_511 = tpu.memref_slice %arg2[%add3A_496, %dma_start3A_509, %dma_start3A_510] : memref<256x256x256xf32, #tpu.memory_space<hbm>> -> memref<1x128x256xf32, #tpu.memory_space<hbm>>
    %dma_start3A_512 = tpu.memref_squeeze %dma_start3A_511 : memref<1x128x256xf32, #tpu.memory_space<hbm>> -> memref<128x256xf32, #tpu.memory_space<hbm>>
    tpu.enqueue_dma source(%dma_start3A_512 : memref<128x256xf32, #tpu.memory_space<hbm>>) target(%arg5 : memref<128x256xf32, #tpu.memory_space<vmem>>) target_semaphore(%arg7 : memref<!tpu.dma_semaphore, #tpu.memory_space<semaphore_mem>>)
    %dma_wait3A_513 = arith.constant 128 : i32
    %dma_wait3A_514 = arith.constant 0 : i32
    %dma_wait3A_515 = tpu.memref_slice %arg2[%add3A_496, %dma_wait3A_513, %dma_wait3A_514] : memref<256x256x256xf32, #tpu.memory_space<hbm>> -> memref<1x128x256xf32, #tpu.memory_space<hbm>>
    %dma_wait3A_516 = tpu.memref_squeeze %dma_wait3A_515 : memref<1x128x256xf32, #tpu.memory_space<hbm>> -> memref<128x256xf32, #tpu.memory_space<hbm>>
    %dma_wait3A_517 = arith.constant 128 : i32
    %dma_wait3A_518 = arith.constant 0 : i32
    %dma_wait3A_519 = tpu.memref_slice %arg2[%add3A_496, %dma_wait3A_517, %dma_wait3A_518] : memref<256x256x256xf32, #tpu.memory_space<hbm>> -> memref<1x128x256xf32, #tpu.memory_space<hbm>>
    %dma_wait3A_520 = tpu.memref_squeeze %dma_wait3A_519 : memref<1x128x256xf32, #tpu.memory_space<hbm>> -> memref<128x256xf32, #tpu.memory_space<hbm>>
    tpu.wait_dma2 semaphore(%arg7 : memref<!tpu.dma_semaphore, #tpu.memory_space<semaphore_mem>>) src(%dma_wait3A_520 : memref<128x256xf32, #tpu.memory_space<hbm>>) dst(%arg5 : memref<128x256xf32, #tpu.memory_space<vmem>>)
    %dma_start3A_521 = arith.constant 128 : i32
    %dma_start3A_522 = arith.constant 0 : i32
    %dma_start3A_523 = tpu.memref_slice %arg3[%add3A_496, %dma_start3A_521, %dma_start3A_522] : memref<256x256x256xf32, #tpu.memory_space<hbm>> -> memref<1x128x256xf32, #tpu.memory_space<hbm>>
    %dma_start3A_524 = tpu.memref_squeeze %dma_start3A_523 : memref<1x128x256xf32, #tpu.memory_space<hbm>> -> memref<128x256xf32, #tpu.memory_space<hbm>>
    %dma_start3A_525 = arith.constant 128 : i32
    %dma_start3A_526 = arith.constant 0 : i32
    %dma_start3A_527 = tpu.memref_slice %arg3[%add3A_496, %dma_start3A_525, %dma_start3A_526] : memref<256x256x256xf32, #tpu.memory_space<hbm>> -> memref<1x128x256xf32, #tpu.memory_space<hbm>>
    %dma_start3A_528 = tpu.memref_squeeze %dma_start3A_527 : memref<1x128x256xf32, #tpu.memory_space<hbm>> -> memref<128x256xf32, #tpu.memory_space<hbm>>
    tpu.enqueue_dma source(%arg5 : memref<128x256xf32, #tpu.memory_space<vmem>>) target(%dma_start3A_528 : memref<128x256xf32, #tpu.memory_space<hbm>>) target_semaphore(%arg9 : memref<!tpu.dma_semaphore, #tpu.memory_space<semaphore_mem>>)
    %dma_wait3A_529 = arith.constant 0 : i32
    %dma_wait3A_530 = arith.constant 0 : i32
    %dma_wait3A_531 = tpu.memref_slice %arg3[%add3A_462, %dma_wait3A_529, %dma_wait3A_530] : memref<256x256x256xf32, #tpu.memory_space<hbm>> -> memref<1x128x256xf32, #tpu.memory_space<hbm>>
    %dma_wait3A_532 = tpu.memref_squeeze %dma_wait3A_531 : memref<1x128x256xf32, #tpu.memory_space<hbm>> -> memref<128x256xf32, #tpu.memory_space<hbm>>
    %dma_wait3A_533 = arith.constant 0 : i32
    %dma_wait3A_534 = arith.constant 0 : i32
    %dma_wait3A_535 = tpu.memref_slice %arg3[%add3A_462, %dma_wait3A_533, %dma_wait3A_534] : memref<256x256x256xf32, #tpu.memory_space<hbm>> -> memref<1x128x256xf32, #tpu.memory_space<hbm>>
    %dma_wait3A_536 = tpu.memref_squeeze %dma_wait3A_535 : memref<1x128x256xf32, #tpu.memory_space<hbm>> -> memref<128x256xf32, #tpu.memory_space<hbm>>
    tpu.wait_dma2 semaphore(%arg8 : memref<!tpu.dma_semaphore, #tpu.memory_space<semaphore_mem>>) src(%arg4 : memref<128x256xf32, #tpu.memory_space<vmem>>) dst(%dma_wait3A_536 : memref<128x256xf32, #tpu.memory_space<hbm>>)
    %dma_wait3A_537 = arith.constant 128 : i32
    %dma_wait3A_538 = arith.constant 0 : i32
    %dma_wait3A_539 = tpu.memref_slice %arg3[%add3A_496, %dma_wait3A_537, %dma_wait3A_538] : memref<256x256x256xf32, #tpu.memory_space<hbm>> -> memref<1x128x256xf32, #tpu.memory_space<hbm>>
    %dma_wait3A_540 = tpu.memref_squeeze %dma_wait3A_539 : memref<1x128x256xf32, #tpu.memory_space<hbm>> -> memref<128x256xf32, #tpu.memory_space<hbm>>
    %dma_wait3A_541 = arith.constant 128 : i32
    %dma_wait3A_542 = arith.constant 0 : i32
    %dma_wait3A_543 = tpu.memref_slice %arg3[%add3A_496, %dma_wait3A_541, %dma_wait3A_542] : memref<256x256x256xf32, #tpu.memory_space<hbm>> -> memref<1x128x256xf32, #tpu.memory_space<hbm>>
    %dma_wait3A_544 = tpu.memref_squeeze %dma_wait3A_543 : memref<1x128x256xf32, #tpu.memory_space<hbm>> -> memref<128x256xf32, #tpu.memory_space<hbm>>
    tpu.wait_dma2 semaphore(%arg9 : memref<!tpu.dma_semaphore, #tpu.memory_space<semaphore_mem>>) src(%arg5 : memref<128x256xf32, #tpu.memory_space<vmem>>) dst(%dma_wait3A_544 : memref<128x256xf32, #tpu.memory_space<hbm>>)
    return
  }
}

module attributes {stable_mosaic.version = 14 : i64} {
  func.func @_emb_body(%arg0: i32, %arg1: memref<8x256xf32, #tpu.memory_space<vmem>>, %arg2: memref<8x256x256xf32, #tpu.memory_space<vmem>>, %arg3: memref<8x256x256xf32, #tpu.memory_space<vmem>>) attributes {dimension_semantics = [#tpu.dimension_semantics<arbitrary>], iteration_bounds = array<i64: 32>, scalar_prefetch = 0 : i64, scratch_operands = 0 : i64, tpu.core_type = #tpu.core_type<tc>, window_params = [{transform_indices = @transform_0, window_bounds = array<i64: 8, 256>}, {transform_indices = @transform_1, window_bounds = array<i64: 8, 256, 256>}, {transform_indices = @transform_2, window_bounds = array<i64: 8, 256, 256>}]} {
    %get3A = arith.constant 0 : index
    %get3A_0 = arith.constant 0 : index
    %get3A_1 = vector.load %arg1[%get3A, %get3A_0] : memref<8x256xf32, #tpu.memory_space<vmem>>, vector<8x256xf32>
    %broadcast_in_dim3A = vector.shape_cast %get3A_1 : vector<8x256xf32> to vector<8x256x1xf32>
    %broadcast_in_dim3A_2 = vector.shape_cast %get3A_1 : vector<8x256xf32> to vector<8x1x256xf32>
    %lt3A = vector.broadcast %broadcast_in_dim3A : vector<8x256x1xf32> to vector<8x256x256xf32>
    %lt3A_3 = vector.broadcast %broadcast_in_dim3A_2 : vector<8x1x256xf32> to vector<8x256x256xf32>
    %lt3A_4 = arith.cmpf olt, %lt3A, %lt3A_3 : vector<8x256x256xf32>
    %iota3A = tpu.iota {dimensions = array<i32: 1>} : vector<1x256x256xi32>
    %iota3A_5 = tpu.iota {dimensions = array<i32: 2>} : vector<1x256x256xi32>
    %broadcast_in_dim3A_6 = vector.shape_cast %get3A_1 : vector<8x256xf32> to vector<8x256x1xf32>
    %broadcast_in_dim3A_7 = vector.shape_cast %get3A_1 : vector<8x256xf32> to vector<8x1x256xf32>
    %eq3A = vector.broadcast %broadcast_in_dim3A_6 : vector<8x256x1xf32> to vector<8x256x256xf32>
    %eq3A_8 = vector.broadcast %broadcast_in_dim3A_7 : vector<8x1x256xf32> to vector<8x256x256xf32>
    %eq3A_9 = arith.cmpf oeq, %eq3A, %eq3A_8 : vector<8x256x256xf32>
    %lt3A_10 = arith.cmpi slt, %iota3A, %iota3A_5 : vector<1x256x256xi32>
    %and3A = vector.broadcast %lt3A_10 : vector<1x256x256xi1> to vector<8x256x256xi1>
    %and3A_11 = arith.andi %eq3A_9, %and3A : vector<8x256x256xi1>
    %or3A = arith.ori %lt3A_4, %and3A_11 : vector<8x256x256xi1>
    %convert_element_type3A = arith.extui %or3A : vector<8x256x256xi1> to vector<8x256x256xi32>
    %reduce_sum3A = arith.constant dense<0> : vector<8x256xi32>
    %reduce_sum3A_12 = vector.multi_reduction <add>, %convert_element_type3A, %reduce_sum3A [1] : vector<8x256x256xi32> to vector<8x256xi32>
    %iota3A_13 = tpu.iota {dimensions = array<i32: 1>} : vector<1x256x256xi32>
    %broadcast_in_dim3A_14 = vector.shape_cast %reduce_sum3A_12 : vector<8x256xi32> to vector<8x1x256xi32>
    %eq3A_15 = vector.broadcast %broadcast_in_dim3A_14 : vector<8x1x256xi32> to vector<8x256x256xi32>
    %eq3A_16 = vector.broadcast %iota3A_13 : vector<1x256x256xi32> to vector<8x256x256xi32>
    %eq3A_17 = arith.cmpi eq, %eq3A_15, %eq3A_16 : vector<8x256x256xi32>
    %convert_element_type3A_18 = arith.extui %eq3A_17 : vector<8x256x256xi1> to vector<8x256x256xi32>
    %convert_element_type3A_19 = arith.sitofp %convert_element_type3A_18 : vector<8x256x256xi32> to vector<8x256x256xf32>
    %swap3A = arith.constant 0 : index
    %swap3A_20 = arith.constant 0 : index
    %swap3A_21 = arith.constant 0 : index
    %swap3A_22 = vector.load %arg2[%swap3A, %swap3A_20, %swap3A_21] : memref<8x256x256xf32, #tpu.memory_space<vmem>>, vector<8x256x256xf32>
    tpu.vector_store %arg2[%swap3A, %swap3A_20, %swap3A_21], %convert_element_type3A_19 {strides = array<i32>} : memref<8x256x256xf32, #tpu.memory_space<vmem>>, vector<8x256x256xf32>,
    %broadcast_in_dim3A_23 = arith.constant 0.000000e+00 : f32
    %broadcast_in_dim3A_24 = vector.broadcast %broadcast_in_dim3A_23 : f32 to vector<8x256x256xf32>
    %swap3A_25 = arith.constant 0 : index
    %swap3A_26 = arith.constant 0 : index
    %swap3A_27 = arith.constant 0 : index
    %swap3A_28 = vector.load %arg3[%swap3A_25, %swap3A_26, %swap3A_27] : memref<8x256x256xf32, #tpu.memory_space<vmem>>, vector<8x256x256xf32>
    tpu.vector_store %arg3[%swap3A_25, %swap3A_26, %swap3A_27], %broadcast_in_dim3A_24 {strides = array<i32>} : memref<8x256x256xf32, #tpu.memory_space<vmem>>, vector<8x256x256xf32>,
    return
  }
  func.func @transform_0(%arg0: i32) -> (i32, i32) {
    %c0_i32 = arith.constant 0 : i32
    %c0_i32_0 = arith.constant 0 : i32
    return %arg0, %c0_i32 : i32, i32
  }
  func.func @transform_1(%arg0: i32) -> (i32, i32, i32) {
    %c0_i32 = arith.constant 0 : i32
    %c0_i32_0 = arith.constant 0 : i32
    %c0_i32_1 = arith.constant 0 : i32
    return %arg0, %c0_i32, %c0_i32_0 : i32, i32, i32
  }
  func.func @transform_2(%arg0: i32) -> (i32, i32, i32) {
    %c0_i32 = arith.constant 0 : i32
    %c0_i32_0 = arith.constant 0 : i32
    %c0_i32_1 = arith.constant 0 : i32
    return %arg0, %c0_i32, %c0_i32_0 : i32, i32, i32
  }
}

</mosaic_0001>

<sc_bundles>
// kernel: kernel.6.cloned.1.call-start
scs
__scs_entry_jumppad:
0x0: {  	(pc) =	sbr.rel $0x88, $3  }
0x1: {  	(tag) =	ssettag $0x0;
	lr =	simm.s32 $0x1  }
0x2: {  	[smem:$0x3FA0] =	sst lr;
	_ =	strace $0xD0000000  }
0x3: {  	_ = 	snop  }
0x4: {  	_ = 	snop  }
0x5: {  	_ = 	snop  }
0x6: {  	_ = 	snop  }
0x7: {  	_ = 	snop  }
__scs_overlays_trampoline_lowered:
0x8: {  	[smem:$0x3FAF] =	sst s0  }
0x9: {  	[smem:$0x3FB0] =	sst s1  }
0xa: {  	[smem:$0x3FB1] =	sst s2  }
0xb: {  	[smem:$0x3FB2] =	sst s3  }
0xc: {  	[smem:$0x3FB3] =	sst s4  }
0xd: {  	[smem:$0x3FB4] =	sst s5  }
0xe: {  	[smem:$0x3FB5] =	sst s6  }
0xf: {  	[smem:$0x3FB6] =	sst s7  }
0x10: {  	[smem:$0x3FB7] =	sst s8  }
0x11: {  	[smem:$0x3FB8] =	sst s9;
	s0 =	simm.s32 @!p0 $0x0  }
0x12: {  	s1 =	sld [smem:$0x3F9E];
	s0 =	simm.s32 @p0 $0x1  }
0x13: {  	[smem:$0x3FB9] =	sst s0;
	s0 =	simm.s32 @!p1 $0x0  }
0x14: {  	s2 =	sld [smem:$0x3F9D];
	s0 =	simm.s32 @p1 $0x1  }
0x15: {  	[smem:$0x3FBA] =	sst s0;
	s0 =	simm.s32 @!p2 $0x0  }
0x16: {  	s3 =	sld [smem:$0x3FDB];
	s0 =	simm.s32 @p2 $0x1  }
0x17: {  	s4 =	simm.s32 $0x1BF5;
	[smem:$0x3FBC] =	sst s0  }
0x18: {  	s0 =	sld [smem:$0x3F9F];
	_ =	swait.ge [sflag:s4], $0x0  }
0x19: {  	s7 =	sld [smem:$0x3FA0]  }
0x1a: {  	s8 =	sadd.s32 $0xFFFFE003, lr  }
0x1b: {  	s9 =	sadd.s32 $0xFFFFFEF7, lr;
	s5 =	simm.s32 $0xFFFFFFFF;
	p2 =	slt.u32 s8, $0xFFFFF086  }
0x1c: {  	p1 =	slt.u32 s9, $0xF7A;
	s5 =	simm.s32 @!p2 $0x0  }
0x1d: {  	s5 =	simm.s32 @p1 $0x1;
	p0 =	seq.s32 s7, s2  }
0x1e: {  	s7 =	smul.u32 @!p0 $0xF7A, s2;
	p2 =	seq.s32 @!p0 s5, $0x0  }
0x1f: {  	s9 =	smul.u32 $0xF7A, s1;
	s8 =	simm.s32 @!p0 $0x1BF5;
	p2 =	por !p2, p0  }
0x20: {  	[sflag:s8] =	ssyncset.s32 @!p0 $0xFFFFF086;
	s6 =	sadd.s32 @!p0 s3, s7;
	s7 =	simm.s32 @!p0 $0x108  }
0x21: {  	s3 =	sadd.s32 s3, s9;
	s6 =	sadd.s32 @!p0 $0x88, s6;
	s7 =	simm.s32 @p2 $0x1082  }
0x22: {  	[simem:s7], [sflag:s8] =	dma.local @!p0 [hbm:s6], $0xF7A  }
0x23: {  	s9 =	sor.u32 $0xD0000000, s2;
	s6 =	simm.s32 $0x108;
	_ =	swait.ge @!p0 [sflag:s8], $0x0  }
0x24: {  	s3 =	sadd.s32 $0x88, s3;
	s6 =	simm.s32 @!p1 $0x1082;
	[sflag:s4] =	ssyncset.s32 $0xFFFFF086  }
0x25: {  	[simem:s6], [sflag:s4] =	dma.local [hbm:s3], $0xF7A  }
0x26: {  	[smem:$0x3FA0] =	sst s1;
	(tag) =	ssettag s2;
	_ =	strace s9  }
0x27: {  	s1 =	sld [smem:$0x3FB0]  }
0x28: {  	s2 =	sld [smem:$0x3FB1]  }
0x29: {  	s4 =	sld [smem:$0x3FB3]  }
0x2a: {  	p0 =	seq.s32 s5, $0x0;
	s5 =	sld [smem:$0x3FB4]  }
0x2b: {  	s6 =	sld [smem:$0x3FB5]  }
0x2c: {  	s7 =	sld [smem:$0x3FB6]  }
0x2d: {  	s3 =	simm.s32 $0x108;
	s8 =	sld [smem:$0x3FB7]  }
0x2e: {  	s3 =	simm.s32 @!p0 $0x1082;
	s9 =	sld [smem:$0x3FB8]  }
0x2f: {  	lr =	sadd.s32 s0, s3;
	s0 =	sld [smem:$0x3FAF]  }
0x30: {  	s3 =	sld [smem:$0x3FB2]  }
0x31: {  	[smem:$0x3FBB] =	sst s10  }
0x32: {  	s10 =	sld [smem:$0x3FB9];
	_ =	sdelay $0x3  }
0x33: {  	p0 =	seq.s32 s10, $0x1;
	s10 =	sld [smem:$0x3FBB];
	_ =	sdelay $0x3  }
0x34: {  	[smem:$0x3FBB] =	sst s10  }
0x35: {  	s10 =	sld [smem:$0x3FBA];
	_ =	sdelay $0x3  }
0x36: {  	p1 =	seq.s32 s10, $0x1;
	s10 =	sld [smem:$0x3FBB];
	_ =	sdelay $0x3  }
0x37: {  	[smem:$0x3FBB] =	sst s10  }
0x38: {  	s10 =	sld [smem:$0x3FBC]  }
0x39: {  	_ = 	snop;
	(pc) =	sbr.ind lr, $3  }
0x3a: {  	_ = 	snop  }
0x3b: {  	_ = 	snop  }
0x3c: {  	p2 =	seq.s32 s10, $0x1;
	s10 =	sld [smem:$0x3FBB]  }
0x3d: {  	_ =	shalt  }
0x3e: {  	_ =	shalt  }
0x3f: {  	_ =	shalt  }
0x40: {  	_ =	shalt  }
0x41: {  	_ =	shalt  }
0x42: {  	_ =	shalt  }
0x43: {  	_ =	shalt  }
0x44: {  	_ =	shalt  }
0x45: {  	_ =	shalt  }
0x46: {  	_ =	shalt  }
0x47: {  	_ =	shalt  }
0x48: {  	_ =	shalt  }
0x49: {  	_ =	shalt  }
0x4a: {  	_ =	shalt  }
0x4b: {  	_ =	shalt  }
0x4c: {  	_ =	shalt  }
0x4d: {  	_ =	shalt  }
0x4e: {  	_ =	shalt  }
0x4f: {  	_ =	shalt  }
0x50: {  	_ =	shalt  }
0x51: {  	_ =	shalt  }
0x52: {  	_ =	shalt  }
0x53: {  	_ =	shalt  }
0x54: {  	_ =	shalt  }
0x55: {  	_ =	shalt  }
0x56: {  	_ =	shalt  }
0x57: {  	_ =	shalt  }
0x58: {  	_ =	shalt  }
0x59: {  	_ =	shalt  }
0x5a: {  	_ =	shalt  }
0x5b: {  	_ =	shalt  }
0x5c: {  	_ =	shalt  }
0x5d: {  	_ =	shalt  }
0x5e: {  	_ =	shalt  }
0x5f: {  	_ =	shalt  }
0x60: {  	_ =	shalt  }
0x61: {  	_ =	shalt  }
0x62: {  	_ =	shalt  }
0x63: {  	_ =	shalt  }
0x64: {  	_ =	shalt  }
0x65: {  	_ =	shalt  }
0x66: {  	_ =	shalt  }
0x67: {  	_ =	shalt  }
0x68: {  	_ =	shalt  }
0x69: {  	_ =	shalt  }
0x6a: {  	_ =	shalt  }
0x6b: {  	_ =	shalt  }
0x6c: {  	_ =	shalt  }
0x6d: {  	_ =	shalt  }
0x6e: {  	_ =	shalt  }
0x6f: {  	_ =	shalt  }
0x70: {  	_ =	shalt  }
0x71: {  	_ =	shalt  }
0x72: {  	_ =	shalt  }
0x73: {  	_ =	shalt  }
0x74: {  	_ =	shalt  }
0x75: {  	_ =	shalt  }
0x76: {  	_ =	shalt  }
0x77: {  	_ =	shalt  }
0x78: {  	_ =	shalt  }
0x79: {  	_ =	shalt  }
0x7a: {  	_ =	shalt  }
0x7b: {  	_ =	shalt  }
0x7c: {  	_ =	shalt  }
0x7d: {  	_ =	shalt  }
0x7e: {  	_ =	shalt  }
0x7f: {  	_ =	shalt  }
0x80: {  	_ =	shalt  }
0x81: {  	_ =	shalt  }
0x82: {  	_ =	shalt  }
0x83: {  	_ =	shalt  }
0x84: {  	_ =	shalt  }
0x85: {  	_ =	shalt  }
0x86: {  	_ =	shalt  }
0x87: {  	_ =	shalt  }
.Lfunc_end0:
.L_simem_size_0:
called_computation_lowered:
.L_overlay_start_0:
0x88: {  	s2 =	sld [smem:$0x3FD9]  }
0x89: {  	s3 =	sld [smem:$0x3FFE];
	_ =	sdelay $0x1  }
0x8a: {  	s1 =	srdreg.scid  }
0x8b: {  	s0 =	sand.u32 $0x1, s1  }
0x8c: {  	s15 =	sshll.u32 s0, $0xA;
	s2 =	sadd.s32 s3, s2  }
0x8d: {  	s2 =	sadd.s32 s2, s15  }
0x8e: {  	[smem:$0x3FC7] =	sst s2  }
0x8f: {  	_ = 	snop  }
0x90: {  	s2 =	sld [smem:$0x3FD0];
	_ =	sdelay $0x2  }
0x91: {  	s4 =	simm.s32 $0xA;
	s5 =	simm.s32 $0x10;
	s16 =	sld [smem:$0x3FC9]  }
0x92: {  	[smem:s5], [sflag:s4] =	dma.local [hbm:s2], $0x1  }
0x93: {  	_ =	swait.eq [sflag:s4], $0x1  }
0x94: {  	[sflag:s4] =	ssyncset.done $0x0  }
0x95: {  	[sflag:s4] =	ssyncadd.s32 $0xFFFFFFFF  }
0x96: {  	s17 =	sld [smem:$0x12];
	(tm) =	ssettm $0x1  }
0x97: {  	s18 =	sld [smem:$0x3FFB];
	_ =	sdelay $0x3  }
0x98: {  	_ =	strace s18  }
0x99: {  	s4 =	sld [smem:$0x3FFC];
	_ =	sdelay $0x3  }
0x9a: {  	_ =	strace s4  }
0x9b: {  	s4 =	sld [smem:$0x3FFD];
	_ =	sdelay $0x3  }
0x9c: {  	_ =	strace s4  }
0x9d: {  	_ =	strace $0x8FFFFFFF  }
0x9e: {  	s19 =	sld [smem:$0x3FDB];
	_ =	sdelay $0x1  }
0x9f: {  	s20 =	simm.s32 $_scs_section_size  }
0xa0: {  	s6 =	simm.s32 $_size__tile_overlayer_lowered;
	s7 =	simm.s32 $_tile_overlayer_lowered  }
0xa1: {  	s23 =	simm.s32 $0x1BFF;
	s22 =	sshll.u32 s7, $0x1;
	s4 =	sadd.s32 s20, s19  }
0xa2: {  	s8 =	simm.s32 $0x0;
	s21 =	sshll.u32 s6, $0x1;
	s6 =	sadd.s32 s22, s4  }
0xa3: {  	[timem:s8], [sflag:s23] =	dma.local [hbm:s6], s21  }
0xa4: {  	_ =	swait.ge [sflag:s23], s21  }
0xa5: {  	s5 =	ssub.s32 $0x0, s21;
	[sflag:s23] =	ssyncset.done $0x0  }
0xa6: {  	[sflag:s23] =	ssyncadd.s32 s5;
	_ =	sdelay $0x1  }
0xa7: {  	s24 =	simm.s32 $0x1B8B  }
0xa8: {  	_ =	swait.ge [sflag:s24], $0x1  }
0xa9: {  	[sflag:s24] =	ssyncset.done $0x0  }
0xaa: {  	s25 =	simm.s32 $0x1B8E;
	[sflag:s24] =	ssyncadd.s32 $0xFFFFFFFF  }
0xab: {  	s26 =	simm.s32 $execute0_lowered;
	[smem:$0x3FD2] =	sst s25  }
0xac: {  	s5 =	sshll.u32 s26, $0x1;
	_ =	strace $0x80000046;
	[dreg:$0x1] =	wrdreg $0xFFFFFFFF  }
0xad: {  	s28 =	simm.s32 $_size_execute0_lowered;
	s4 =	sadd.s32 s4, s5;
	[dreg:$0x0] =	wrdreg $0x0  }
0xae: {  	s5 =	sshll.u32 s28, $0x1;
	[dreg:$0x2] =	wrdreg s4  }
0xaf: {  	[dreg:$0x3] =	wrdreg s5  }
0xb0: {  	[dreg:$0x4] =	wrdreg $0xC0  }
0xb1: {  	_ =	task [dreg:s8], $0x5FFFF  }
0xb2: {  	[dreg:$0x1] =	wrdreg $0xFFFFFFFF  }
0xb3: {  	[dreg:$0x0] =	wrdreg $0x60  }
0xb4: {  	[dreg:$0x2] =	wrdreg s16  }
0xb5: {  	[dreg:$0x3] =	wrdreg s17  }
0xb6: {  	[dreg:$0x4] =	wrdreg $0x9  }
0xb7: {  	_ =	task.clear_ibuf [dreg:s8], $0x5FFFF;
	_ =	strace $0x90000046  }
0xb8: {  	s29 =	simm.s32 $0x9;
	_ =	strace $0x80000048  }
0xb9: {  	_ =	swait.ge [sflag:s29], $0x1  }
0xba: {  	[sflag:s29] =	ssyncadd.s32 $0xFFFFFFFF  }
0xbb: {  	_ =	strace $0x90000048  }
0xbc: {  	_ =	sfence  }
0xbd: {  	s30 =	sld [smem:$0x0];
	_ =	sdelay $0x2  }
0xbe: {  	s31 =	sshll.u32 s1, $0xD;
	s1 =	sshrl.u32 s1, $0x2  }
0xbf: {  	s3 =	sand.u32 $0x4000, s31;
	s1 =	sadd.s32 s1, s30  }
0xc0: {  	s0 =	sor.u32 s3, s0;
	s1 =	sshll.u32 s1, $0x11  }
0xc1: {  	s0 =	sor.u32 s1, s0  }
0xc2: {  	s0 =	sadd.s32 $0x8F2B, s0  }
0xc3: {  	[sflag:s0] =	ssyncadd.remote.s32 $0x1  }
0xc4: {  	_ =	sfence.sel $0xFFFF  }
0xc5: {  	[dreg:$0x0] =	wrdreg $0xFFFFFFFF;
	(pc) =	sbr.abs _section_cstart, $3  }
0xc6: {  	[dreg:$0x1] =	wrdreg $0xFFFFFFFF  }
0xc7: {  	_ =	task.clear_ibuf [dreg:s8], $0x2FFFF;
	_ =	strace $0x9FFFFFFF  }
0xc8: {  	(tm) =	ssettm $0x7FFFFFFF  }
0xc9: {  	_ =	shalt  }
tec
execute0_lowered:
.L_overlay_start_1:
0x0: {  	(tag) =	ssettag $0x1  }
0x1: {  	s1 =	srdreg.scid  }
0x2: {  	s30 =	rddreg [dreg:$0x0];
	s3 =	stileid.u32;
	s1 =	sand.u32 $0x1, s1  }
0x3: {  	s2 =	simm.s32 $0x0;
	s3 =	sshll.u32 s3, $0x11;
	s4 =	sshll.u32 s1, $0x10  }
0x4: {  	[smem:$0x7FF] =	sst s2;
	s31 =	sor.u32 s4, s3  }
0x5: {  	s0 =	rddreg [dreg:$0x1];
	_ =	strace $0x80000047;
	s3 =	sadd.s32 s30, s31  }
0x6: {  	s11 =	sadd.s32 s0, s31;
	s4 =	sor.u32 $0x1000, s31;
	[dreg:$0x3] =	wrdreg s3  }
0x7: {  	[dreg:$0x4] =	wrdreg s11;
	s12 =	sadd.s32 s30, s4  }
0x8: {  	s14 =	sor.u32 $0x2000, s31;
	s13 =	sadd.s32 s0, s4;
	[dreg:$0x5] =	wrdreg s12  }
0x9: {  	s15 =	sadd.s32 s30, s14;
	[dreg:$0x6] =	wrdreg s13  }
0xa: {  	s17 =	sor.u32 $0x3000, s31;
	s16 =	sadd.s32 s0, s14;
	[dreg:$0x7] =	wrdreg s15  }
0xb: {  	s18 =	sadd.s32 s30, s17;
	[dreg:$0x8] =	wrdreg s16  }
0xc: {  	[dreg:$0x9] =	wrdreg s18  }
0xd: {  	s8 =	sor.u32 $0x4000, s31;
	s19 =	sadd.s32 s0, s17;
	s20 =	rddreg [dreg:$0x3]  }
0xe: {  	s21 =	sadd.s32 s30, s8;
	[dreg:$0xa] =	wrdreg s19  }
0xf: {  	s3 =	simm.s32 $0x1;
	[dreg:$0xb] =	wrdreg s21  }
0x10: {  	[tilespmem:s2], [sflag:$0x1] =	stream.linear.gather [hbm4b:s20+s2], $0x8000, $0x38;
	[tilespmem:$0x10000] =	vst v63  }
0x11: {  	_ =	swait.ge [sflag:s3], $0x8000  }
0x12: {  	[sflag:s3] =	ssyncset.done $0x0  }
0x13: {  	s22 =	rddreg [dreg:$0x4];
	[sflag:s3] =	ssyncadd.s32 $0xFFFF8000  }
0x14: {  	[hbm4b:s22+s2] =	stream.linear.scatter [tilespmem:s2], [sflag:$0x3], $0x8000, $0x38;
	[tilespmem:$0x10000] =	vst v63  }
0x15: {  	s5 =	simm.s32 $0x2;
	s4 =	simm.s32 $0x8000;
	s6 =	rddreg [dreg:$0x5]  }
0x16: {  	[tilespmem:s4], [sflag:$0x2] =	stream.linear.gather [hbm4b:s6+s2], $0x8000, $0x38;
	[tilespmem:$0x10000] =	vst v63  }
0x17: {  	_ =	swait.ge [sflag:s5], $0x8000  }
0x18: {  	[sflag:s5] =	ssyncset.done $0x0  }
0x19: {  	s6 =	simm.s32 $0x3;
	s7 =	rddreg [dreg:$0x6];
	[sflag:s5] =	ssyncadd.s32 $0xFFFF8000  }
0x1a: {  	[hbm4b:s7+s2] =	stream.linear.scatter [tilespmem:s4], [sflag:$0x4], $0x8000, $0x38;
	[tilespmem:$0x10000] =	vst v63  }
0x1b: {  	_ =	swait.ge [sflag:s6], $0x8000  }
0x1c: {  	[sflag:s6] =	ssyncset.done $0x0  }
0x1d: {  	s23 =	rddreg [dreg:$0x7];
	[sflag:s6] =	ssyncadd.s32 $0xFFFF8000  }
0x1e: {  	[tilespmem:s2], [sflag:$0x1] =	stream.linear.gather [hbm4b:s23+s2], $0x8000, $0x38;
	[tilespmem:$0x10000] =	vst v63  }
0x1f: {  	_ =	swait.ge [sflag:s3], $0x8000  }
0x20: {  	[sflag:s3] =	ssyncset.done $0x0  }
0x21: {  	s7 =	simm.s32 $0x4;
	s9 =	rddreg [dreg:$0x8];
	[sflag:s3] =	ssyncadd.s32 $0xFFFF8000  }
0x22: {  	[hbm4b:s9+s2] =	stream.linear.scatter [tilespmem:s2], [sflag:$0x3], $0x8000, $0x38;
	[tilespmem:$0x10000] =	vst v63  }
0x23: {  	_ =	swait.ge [sflag:s7], $0x8000  }
0x24: {  	[sflag:s7] =	ssyncset.done $0x0  }
0x25: {  	s24 =	rddreg [dreg:$0x9];
	[sflag:s7] =	ssyncadd.s32 $0xFFFF8000  }
0x26: {  	[tilespmem:s4], [sflag:$0x2] =	stream.linear.gather [hbm4b:s24+s2], $0x8000, $0x38;
	[tilespmem:$0x10000] =	vst v63  }
0x27: {  	_ =	swait.ge [sflag:s5], $0x8000  }
0x28: {  	[sflag:s5] =	ssyncset.done $0x0  }
0x29: {  	s25 =	rddreg [dreg:$0xa];
	[sflag:s5] =	ssyncadd.s32 $0xFFFF8000  }
0x2a: {  	[hbm4b:s25+s2] =	stream.linear.scatter [tilespmem:s4], [sflag:$0x4], $0x8000, $0x38;
	[tilespmem:$0x10000] =	vst v63  }
0x2b: {  	_ =	swait.ge [sflag:s6], $0x8000  }
0x2c: {  	[sflag:s6] =	ssyncset.done $0x0  }
0x2d: {  	s26 =	rddreg [dreg:$0xb];
	[sflag:s6] =	ssyncadd.s32 $0xFFFF8000  }
0x2e: {  	[tilespmem:s2], [sflag:$0x1] =	stream.linear.gather [hbm4b:s26+s2], $0x8000, $0x38;
	[tilespmem:$0x10000] =	vst v63  }
0x2f: {  	_ =	swait.ge [sflag:s3], $0x8000  }
0x30: {  	s8 =	sadd.s32 s0, s8;
	[sflag:s3] =	ssyncset.done $0x0  }
0x31: {  	[dreg:$0xc] =	wrdreg s8;
	[sflag:s3] =	ssyncadd.s32 $0xFFFF8000  }
0x32: {  	[hbm4b:s8+s2] =	stream.linear.scatter [tilespmem:s2], [sflag:$0x3], $0x8000, $0x38;
	[tilespmem:$0x10000] =	vst v63  }
0x33: {  	_ =	swait.ge [sflag:s7], $0x8000  }
0x34: {  	s10 =	sor.u32 $0x5000, s31;
	[sflag:s7] =	ssyncset.done $0x0  }
0x35: {  	s9 =	sadd.s32 s30, s10;
	[sflag:s7] =	ssyncadd.s32 $0xFFFF8000  }
0x36: {  	[tilespmem:s4], [sflag:$0x2] =	stream.linear.gather [hbm4b:s9+s2], $0x8000, $0x38;
	[tilespmem:$0x10000] =	vst v63  }
0x37: {  	_ =	swait.ge [sflag:s5], $0x8000  }
0x38: {  	[sflag:s5] =	ssyncset.done $0x0  }
0x39: {  	s10 =	sadd.s32 s0, s10;
	[sflag:s5] =	ssyncadd.s32 $0xFFFF8000  }
0x3a: {  	[hbm4b:s10+s2] =	stream.linear.scatter [tilespmem:s4], [sflag:$0x4], $0x8000, $0x38;
	[tilespmem:$0x10000] =	vst v63  }
0x3b: {  	_ =	swait.ge [sflag:s6], $0x8000  }
0x3c: {  	s12 =	sor.u32 $0x6000, s31;
	[sflag:s6] =	ssyncset.done $0x0  }
0x3d: {  	s11 =	sadd.s32 s30, s12;
	[sflag:s6] =	ssyncadd.s32 $0xFFFF8000  }
0x3e: {  	[tilespmem:s2], [sflag:$0x1] =	stream.linear.gather [hbm4b:s11+s2], $0x8000, $0x38;
	[tilespmem:$0x10000] =	vst v63  }
0x3f: {  	_ =	swait.ge [sflag:s3], $0x8000  }
0x40: {  	[sflag:s3] =	ssyncset.done $0x0  }
0x41: {  	s12 =	sadd.s32 s0, s12;
	[sflag:s3] =	ssyncadd.s32 $0xFFFF8000  }
0x42: {  	[hbm4b:s12+s2] =	stream.linear.scatter [tilespmem:s2], [sflag:$0x3], $0x8000, $0x38;
	[tilespmem:$0x10000] =	vst v63  }
0x43: {  	_ =	swait.ge [sflag:s7], $0x8000  }
0x44: {  	s14 =	sor.u32 $0x7000, s31;
	[sflag:s7] =	ssyncset.done $0x0  }
0x45: {  	s13 =	sadd.s32 s30, s14;
	[sflag:s7] =	ssyncadd.s32 $0xFFFF8000  }
0x46: {  	[tilespmem:s4], [sflag:$0x2] =	stream.linear.gather [hbm4b:s13+s2], $0x8000, $0x38;
	[tilespmem:$0x10000] =	vst v63  }
0x47: {  	_ =	swait.ge [sflag:s5], $0x8000  }
0x48: {  	[sflag:s5] =	ssyncset.done $0x0  }
0x49: {  	s14 =	sadd.s32 s0, s14;
	[sflag:s5] =	ssyncadd.s32 $0xFFFF8000  }
0x4a: {  	[hbm4b:s14+s2] =	stream.linear.scatter [tilespmem:s4], [sflag:$0x4], $0x8000, $0x38;
	[tilespmem:$0x10000] =	vst v63  }
0x4b: {  	_ =	swait.ge [sflag:s6], $0x8000  }
0x4c: {  	s16 =	sor.u32 $0x8000, s31;
	[sflag:s6] =	ssyncset.done $0x0  }
0x4d: {  	s15 =	sadd.s32 s30, s16;
	[sflag:s6] =	ssyncadd.s32 $0xFFFF8000  }
0x4e: {  	[tilespmem:s2], [sflag:$0x1] =	stream.linear.gather [hbm4b:s15+s2], $0x8000, $0x38;
	[tilespmem:$0x10000] =	vst v63  }
0x4f: {  	_ =	swait.ge [sflag:s3], $0x8000  }
0x50: {  	[sflag:s3] =	ssyncset.done $0x0  }
0x51: {  	s16 =	sadd.s32 s0, s16;
	[sflag:s3] =	ssyncadd.s32 $0xFFFF8000  }
0x52: {  	[hbm4b:s16+s2] =	stream.linear.scatter [tilespmem:s2], [sflag:$0x3], $0x8000, $0x38;
	[tilespmem:$0x10000] =	vst v63  }
0x53: {  	_ =	swait.ge [sflag:s7], $0x8000  }
0x54: {  	s18 =	sor.u32 $0x9000, s31;
	[sflag:s7] =	ssyncset.done $0x0  }
0x55: {  	s17 =	sadd.s32 s30, s18;
	[sflag:s7] =	ssyncadd.s32 $0xFFFF8000  }
0x56: {  	[tilespmem:s4], [sflag:$0x2] =	stream.linear.gather [hbm4b:s17+s2], $0x8000, $0x38;
	[tilespmem:$0x10000] =	vst v63  }
0x57: {  	_ =	swait.ge [sflag:s5], $0x8000  }
0x58: {  	[sflag:s5] =	ssyncset.done $0x0  }
0x59: {  	s18 =	sadd.s32 s0, s18;
	[sflag:s5] =	ssyncadd.s32 $0xFFFF8000  }
0x5a: {  	[hbm4b:s18+s2] =	stream.linear.scatter [tilespmem:s4], [sflag:$0x4], $0x8000, $0x38;
	[tilespmem:$0x10000] =	vst v63  }
0x5b: {  	_ =	swait.ge [sflag:s6], $0x8000  }
0x5c: {  	s20 =	sor.u32 $0xA000, s31;
	[sflag:s6] =	ssyncset.done $0x0  }
0x5d: {  	s19 =	sadd.s32 s30, s20;
	[sflag:s6] =	ssyncadd.s32 $0xFFFF8000  }
0x5e: {  	[tilespmem:s2], [sflag:$0x1] =	stream.linear.gather [hbm4b:s19+s2], $0x8000, $0x38;
	[tilespmem:$0x10000] =	vst v63  }
0x5f: {  	_ =	swait.ge [sflag:s3], $0x8000  }
0x60: {  	[sflag:s3] =	ssyncset.done $0x0  }
0x61: {  	s20 =	sadd.s32 s0, s20;
	[sflag:s3] =	ssyncadd.s32 $0xFFFF8000  }
0x62: {  	[hbm4b:s20+s2] =	stream.linear.scatter [tilespmem:s2], [sflag:$0x3], $0x8000, $0x38;
	[tilespmem:$0x10000] =	vst v63  }
0x63: {  	_ =	swait.ge [sflag:s7], $0x8000  }
0x64: {  	s22 =	sor.u32 $0xB000, s31;
	[sflag:s7] =	ssyncset.done $0x0  }
0x65: {  	s21 =	sadd.s32 s30, s22;
	[sflag:s7] =	ssyncadd.s32 $0xFFFF8000  }
0x66: {  	[tilespmem:s4], [sflag:$0x2] =	stream.linear.gather [hbm4b:s21+s2], $0x8000, $0x38;
	[tilespmem:$0x10000] =	vst v63  }
0x67: {  	_ =	swait.ge [sflag:s5], $0x8000  }
0x68: {  	[sflag:s5] =	ssyncset.done $0x0  }
0x69: {  	s22 =	sadd.s32 s0, s22;
	[sflag:s5] =	ssyncadd.s32 $0xFFFF8000  }
0x6a: {  	[hbm4b:s22+s2] =	stream.linear.scatter [tilespmem:s4], [sflag:$0x4], $0x8000, $0x38;
	[tilespmem:$0x10000] =	vst v63  }
0x6b: {  	_ =	swait.ge [sflag:s6], $0x8000  }
0x6c: {  	s24 =	sor.u32 $0xC000, s31;
	[sflag:s6] =	ssyncset.done $0x0  }
0x6d: {  	s23 =	sadd.s32 s30, s24;
	[sflag:s6] =	ssyncadd.s32 $0xFFFF8000  }
0x6e: {  	[tilespmem:s2], [sflag:$0x1] =	stream.linear.gather [hbm4b:s23+s2], $0x8000, $0x38;
	[tilespmem:$0x10000] =	vst v63  }
0x6f: {  	_ =	swait.ge [sflag:s3], $0x8000  }
0x70: {  	[sflag:s3] =	ssyncset.done $0x0  }
0x71: {  	s24 =	sadd.s32 s0, s24;
	[sflag:s3] =	ssyncadd.s32 $0xFFFF8000  }
0x72: {  	[hbm4b:s24+s2] =	stream.linear.scatter [tilespmem:s2], [sflag:$0x3], $0x8000, $0x38;
	[tilespmem:$0x10000] =	vst v63  }
0x73: {  	_ =	swait.ge [sflag:s7], $0x8000  }
0x74: {  	s26 =	sor.u32 $0xD000, s31;
	[sflag:s7] =	ssyncset.done $0x0  }
0x75: {  	s25 =	sadd.s32 s30, s26;
	[sflag:s7] =	ssyncadd.s32 $0xFFFF8000  }
0x76: {  	[tilespmem:s4], [sflag:$0x2] =	stream.linear.gather [hbm4b:s25+s2], $0x8000, $0x38;
	[tilespmem:$0x10000] =	vst v63  }
0x77: {  	_ =	swait.ge [sflag:s5], $0x8000  }
0x78: {  	[sflag:s5] =	ssyncset.done $0x0  }
0x79: {  	s26 =	sadd.s32 s0, s26;
	[sflag:s5] =	ssyncadd.s32 $0xFFFF8000  }
0x7a: {  	[hbm4b:s26+s2] =	stream.linear.scatter [tilespmem:s4], [sflag:$0x4], $0x8000, $0x38;
	[tilespmem:$0x10000] =	vst v63  }
0x7b: {  	_ =	swait.ge [sflag:s6], $0x8000  }
0x7c: {  	s29 =	sor.u32 $0xE000, s31;
	[sflag:s6] =	ssyncset.done $0x0  }
0x7d: {  	s28 =	sadd.s32 s30, s29;
	[sflag:s6] =	ssyncadd.s32 $0xFFFF8000  }
0x7e: {  	[tilespmem:s2], [sflag:$0x1] =	stream.linear.gather [hbm4b:s28+s2], $0x8000, $0x38;
	[tilespmem:$0x10000] =	vst v63  }
0x7f: {  	_ =	swait.ge [sflag:s3], $0x8000  }
0x80: {  	[sflag:s3] =	ssyncset.done $0x0  }
0x81: {  	s29 =	sadd.s32 s0, s29;
	[sflag:s3] =	ssyncadd.s32 $0xFFFF8000  }
0x82: {  	[hbm4b:s29+s2] =	stream.linear.scatter [tilespmem:s2], [sflag:$0x3], $0x8000, $0x38;
	[tilespmem:$0x10000] =	vst v63  }
0x83: {  	_ =	swait.ge [sflag:s7], $0x8000  }
0x84: {  	s31 =	sor.u32 $0xF000, s31;
	s8 =	ssub.s32 $0x2, s1;
	[sflag:s7] =	ssyncset.done $0x0  }
0x85: {  	s30 =	sadd.s32 s30, s31;
	s1 =	sshrl.u32 s8, $0x1;
	[sflag:s7] =	ssyncadd.s32 $0xFFFF8000  }
0x86: {  	[tilespmem:s4], [sflag:$0x2] =	stream.linear.gather [hbm4b:s30+s2], $0x8000, $0x38;
	[tilespmem:$0x10000] =	vst v63  }
0x87: {  	s31 =	sadd.s32 s0, s31;
	s0 =	ssub.s32 s8, s1;
	_ =	swait.ge [sflag:s5], $0x8000  }
0x88: {  	s0 =	smax.u32 s0, $0x1;
	[sflag:s5] =	ssyncset.done $0x0  }
0x89: {  	p0 =	sne.s32 s0, $0x1;
	[sflag:s5] =	ssyncadd.s32 $0xFFFF8000  }
0x8a: {  	[hbm4b:s31+s2] =	stream.linear.scatter [tilespmem:s4], [sflag:$0x4], $0x8000, $0x38;
	[tilespmem:$0x10000] =	vst v63  }
.Ltmp0:
0x8b: {  	_ =	swait.ge [sflag:s6], $0x8000;
	(pc) =	sbr.rel @!p0 .LBB2_2-.Ltmp0, $4  }
0x8c: {  	[sflag:s6] =	ssyncset.done $0x0  }
0x8d: {  	[sflag:s6] =	ssyncadd.s32 $0xFFFF8000  }
0x8e: {  	_ =	swait.ge [sflag:s7], $0x8000  }
0x8f: {  	s0 =	sadd.s32 $0xFFFFFFFF, s0;
	[sflag:s7] =	ssyncset.done $0x0  }
.LBB2_1:
0x90: {  	s1 =	rddreg [dreg:$0x3];
	[sflag:s7] =	ssyncadd.s32 $0xFFFF8000  }
0x91: {  	[tilespmem:s2], [sflag:$0x1] =	stream.linear.gather [hbm4b:s1+s2], $0x8000, $0x38;
	[tilespmem:$0x10000] =	vst v63  }
0x92: {  	_ =	swait.ge [sflag:s3], $0x8000  }
0x93: {  	[sflag:s3] =	ssyncset.done $0x0  }
0x94: {  	s1 =	rddreg [dreg:$0x4];
	[sflag:s3] =	ssyncadd.s32 $0xFFFF8000  }
0x95: {  	[hbm4b:s1+s2] =	stream.linear.scatter [tilespmem:s2], [sflag:$0x3], $0x8000, $0x38;
	[tilespmem:$0x10000] =	vst v63  }
0x96: {  	s8 =	rddreg [dreg:$0x5]  }
0x97: {  	[tilespmem:s4], [sflag:$0x2] =	stream.linear.gather [hbm4b:s8+s2], $0x8000, $0x38;
	[tilespmem:$0x10000] =	vst v63  }
0x98: {  	_ =	swait.ge [sflag:s5], $0x8000  }
0x99: {  	[sflag:s5] =	ssyncset.done $0x0  }
0x9a: {  	s8 =	rddreg [dreg:$0x6];
	[sflag:s5] =	ssyncadd.s32 $0xFFFF8000  }
0x9b: {  	[hbm4b:s8+s2] =	stream.linear.scatter [tilespmem:s4], [sflag:$0x4], $0x8000, $0x38;
	[tilespmem:$0x10000] =	vst v63  }
0x9c: {  	_ =	swait.ge [sflag:s6], $0x8000  }
0x9d: {  	[sflag:s6] =	ssyncset.done $0x0  }
0x9e: {  	s8 =	rddreg [dreg:$0x7];
	[sflag:s6] =	ssyncadd.s32 $0xFFFF8000  }
0x9f: {  	[tilespmem:s2], [sflag:$0x1] =	stream.linear.gather [hbm4b:s8+s2], $0x8000, $0x38;
	[tilespmem:$0x10000] =	vst v63  }
0xa0: {  	_ =	swait.ge [sflag:s3], $0x8000  }
0xa1: {  	[sflag:s3] =	ssyncset.done $0x0  }
0xa2: {  	s8 =	rddreg [dreg:$0x8];
	[sflag:s3] =	ssyncadd.s32 $0xFFFF8000  }
0xa3: {  	[hbm4b:s8+s2] =	stream.linear.scatter [tilespmem:s2], [sflag:$0x3], $0x8000, $0x38;
	[tilespmem:$0x10000] =	vst v63  }
0xa4: {  	_ =	swait.ge [sflag:s7], $0x8000  }
0xa5: {  	[sflag:s7] =	ssyncset.done $0x0  }
0xa6: {  	s8 =	rddreg [dreg:$0x9];
	[sflag:s7] =	ssyncadd.s32 $0xFFFF8000  }
0xa7: {  	[tilespmem:s4], [sflag:$0x2] =	stream.linear.gather [hbm4b:s8+s2], $0x8000, $0x38;
	[tilespmem:$0x10000] =	vst v63  }
0xa8: {  	_ =	swait.ge [sflag:s5], $0x8000  }
0xa9: {  	[sflag:s5] =	ssyncset.done $0x0  }
0xaa: {  	s8 =	rddreg [dreg:$0xa];
	[sflag:s5] =	ssyncadd.s32 $0xFFFF8000  }
0xab: {  	[hbm4b:s8+s2] =	stream.linear.scatter [tilespmem:s4], [sflag:$0x4], $0x8000, $0x38;
	[tilespmem:$0x10000] =	vst v63  }
0xac: {  	_ =	swait.ge [sflag:s6], $0x8000  }
0xad: {  	[sflag:s6] =	ssyncset.done $0x0  }
0xae: {  	s8 =	rddreg [dreg:$0xb];
	[sflag:s6] =	ssyncadd.s32 $0xFFFF8000  }
0xaf: {  	[tilespmem:s2], [sflag:$0x1] =	stream.linear.gather [hbm4b:s8+s2], $0x8000, $0x38;
	[tilespmem:$0x10000] =	vst v63  }
0xb0: {  	_ =	swait.ge [sflag:s3], $0x8000  }
0xb1: {  	[sflag:s3] =	ssyncset.done $0x0  }
0xb2: {  	s8 =	rddreg [dreg:$0xc];
	[sflag:s3] =	ssyncadd.s32 $0xFFFF8000  }
0xb3: {  	[hbm4b:s8+s2] =	stream.linear.scatter [tilespmem:s2], [sflag:$0x3], $0x8000, $0x38;
	[tilespmem:$0x10000] =	vst v63  }
0xb4: {  	_ =	swait.ge [sflag:s7], $0x8000  }
0xb5: {  	[sflag:s7] =	ssyncset.done $0x0  }
0xb6: {  	[sflag:s7] =	ssyncadd.s32 $0xFFFF8000  }
0xb7: {  	[tilespmem:s4], [sflag:$0x2] =	stream.linear.gather [hbm4b:s9+s2], $0x8000, $0x38;
	[tilespmem:$0x10000] =	vst v63  }
0xb8: {  	_ =	swait.ge [sflag:s5], $0x8000  }
0xb9: {  	[sflag:s5] =	ssyncset.done $0x0  }
0xba: {  	[sflag:s5] =	ssyncadd.s32 $0xFFFF8000  }
0xbb: {  	[hbm4b:s10+s2] =	stream.linear.scatter [tilespmem:s4], [sflag:$0x4], $0x8000, $0x38;
	[tilespmem:$0x10000] =	vst v63  }
0xbc: {  	_ =	swait.ge [sflag:s6], $0x8000  }
0xbd: {  	[sflag:s6] =	ssyncset.done $0x0  }
0xbe: {  	[sflag:s6] =	ssyncadd.s32 $0xFFFF8000  }
0xbf: {  	[tilespmem:s2], [sflag:$0x1] =	stream.linear.gather [hbm4b:s11+s2], $0x8000, $0x38;
	[tilespmem:$0x10000] =	vst v63  }
0xc0: {  	_ =	swait.ge [sflag:s3], $0x8000  }
0xc1: {  	[sflag:s3] =	ssyncset.done $0x0  }
0xc2: {  	[sflag:s3] =	ssyncadd.s32 $0xFFFF8000  }
0xc3: {  	[hbm4b:s12+s2] =	stream.linear.scatter [tilespmem:s2], [sflag:$0x3], $0x8000, $0x38;
	[tilespmem:$0x10000] =	vst v63  }
0xc4: {  	_ =	swait.ge [sflag:s7], $0x8000  }
0xc5: {  	[sflag:s7] =	ssyncset.done $0x0  }
0xc6: {  	[sflag:s7] =	ssyncadd.s32 $0xFFFF8000  }
0xc7: {  	[tilespmem:s4], [sflag:$0x2] =	stream.linear.gather [hbm4b:s13+s2], $0x8000, $0x38;
	[tilespmem:$0x10000] =	vst v63  }
0xc8: {  	_ =	swait.ge [sflag:s5], $0x8000  }
0xc9: {  	[sflag:s5] =	ssyncset.done $0x0  }
0xca: {  	[sflag:s5] =	ssyncadd.s32 $0xFFFF8000  }
0xcb: {  	[hbm4b:s14+s2] =	stream.linear.scatter [tilespmem:s4], [sflag:$0x4], $0x8000, $0x38;
	[tilespmem:$0x10000] =	vst v63  }
0xcc: {  	_ =	swait.ge [sflag:s6], $0x8000  }
0xcd: {  	[sflag:s6] =	ssyncset.done $0x0  }
0xce: {  	[sflag:s6] =	ssyncadd.s32 $0xFFFF8000  }
0xcf: {  	[tilespmem:s2], [sflag:$0x1] =	stream.linear.gather [hbm4b:s15+s2], $0x8000, $0x38;
	[tilespmem:$0x10000] =	vst v63  }
0xd0: {  	_ =	swait.ge [sflag:s3], $0x8000  }
0xd1: {  	[sflag:s3] =	ssyncset.done $0x0  }
0xd2: {  	[sflag:s3] =	ssyncadd.s32 $0xFFFF8000  }
0xd3: {  	[hbm4b:s16+s2] =	stream.linear.scatter [tilespmem:s2], [sflag:$0x3], $0x8000, $0x38;
	[tilespmem:$0x10000] =	vst v63  }
0xd4: {  	_ =	swait.ge [sflag:s7], $0x8000  }
0xd5: {  	[sflag:s7] =	ssyncset.done $0x0  }
0xd6: {  	[sflag:s7] =	ssyncadd.s32 $0xFFFF8000  }
0xd7: {  	[tilespmem:s4], [sflag:$0x2] =	stream.linear.gather [hbm4b:s17+s2], $0x8000, $0x38;
	[tilespmem:$0x10000] =	vst v63  }
0xd8: {  	_ =	swait.ge [sflag:s5], $0x8000  }
0xd9: {  	[sflag:s5] =	ssyncset.done $0x0  }
0xda: {  	[sflag:s5] =	ssyncadd.s32 $0xFFFF8000  }
0xdb: {  	[hbm4b:s18+s2] =	stream.linear.scatter [tilespmem:s4], [sflag:$0x4], $0x8000, $0x38;
	[tilespmem:$0x10000] =	vst v63  }
0xdc: {  	_ =	swait.ge [sflag:s6], $0x8000  }
0xdd: {  	[sflag:s6] =	ssyncset.done $0x0  }
0xde: {  	[sflag:s6] =	ssyncadd.s32 $0xFFFF8000  }
0xdf: {  	[tilespmem:s2], [sflag:$0x1] =	stream.linear.gather [hbm4b:s19+s2], $0x8000, $0x38;
	[tilespmem:$0x10000] =	vst v63  }
0xe0: {  	_ =	swait.ge [sflag:s3], $0x8000  }
0xe1: {  	[sflag:s3] =	ssyncset.done $0x0  }
0xe2: {  	[sflag:s3] =	ssyncadd.s32 $0xFFFF8000  }
0xe3: {  	[hbm4b:s20+s2] =	stream.linear.scatter [tilespmem:s2], [sflag:$0x3], $0x8000, $0x38;
	[tilespmem:$0x10000] =	vst v63  }
0xe4: {  	_ =	swait.ge [sflag:s7], $0x8000  }
0xe5: {  	[sflag:s7] =	ssyncset.done $0x0  }
0xe6: {  	[sflag:s7] =	ssyncadd.s32 $0xFFFF8000  }
0xe7: {  	[tilespmem:s4], [sflag:$0x2] =	stream.linear.gather [hbm4b:s21+s2], $0x8000, $0x38;
	[tilespmem:$0x10000] =	vst v63  }
0xe8: {  	_ =	swait.ge [sflag:s5], $0x8000  }
0xe9: {  	[sflag:s5] =	ssyncset.done $0x0  }
0xea: {  	[sflag:s5] =	ssyncadd.s32 $0xFFFF8000  }
0xeb: {  	[hbm4b:s22+s2] =	stream.linear.scatter [tilespmem:s4], [sflag:$0x4], $0x8000, $0x38;
	[tilespmem:$0x10000] =	vst v63  }
0xec: {  	_ =	swait.ge [sflag:s6], $0x8000  }
0xed: {  	[sflag:s6] =	ssyncset.done $0x0  }
0xee: {  	[sflag:s6] =	ssyncadd.s32 $0xFFFF8000  }
0xef: {  	[tilespmem:s2], [sflag:$0x1] =	stream.linear.gather [hbm4b:s23+s2], $0x8000, $0x38;
	[tilespmem:$0x10000] =	vst v63  }
0xf0: {  	_ =	swait.ge [sflag:s3], $0x8000  }
0xf1: {  	[sflag:s3] =	ssyncset.done $0x0  }
0xf2: {  	[sflag:s3] =	ssyncadd.s32 $0xFFFF8000  }
0xf3: {  	[hbm4b:s24+s2] =	stream.linear.scatter [tilespmem:s2], [sflag:$0x3], $0x8000, $0x38;
	[tilespmem:$0x10000] =	vst v63  }
0xf4: {  	_ =	swait.ge [sflag:s7], $0x8000  }
0xf5: {  	[sflag:s7] =	ssyncset.done $0x0  }
0xf6: {  	[sflag:s7] =	ssyncadd.s32 $0xFFFF8000  }
0xf7: {  	[tilespmem:s4], [sflag:$0x2] =	stream.linear.gather [hbm4b:s25+s2], $0x8000, $0x38;
	[tilespmem:$0x10000] =	vst v63  }
0xf8: {  	_ =	swait.ge [sflag:s5], $0x8000  }
0xf9: {  	[sflag:s5] =	ssyncset.done $0x0  }
0xfa: {  	[sflag:s5] =	ssyncadd.s32 $0xFFFF8000  }
0xfb: {  	[hbm4b:s26+s2] =	stream.linear.scatter [tilespmem:s4], [sflag:$0x4], $0x8000, $0x38;
	[tilespmem:$0x10000] =	vst v63  }
0xfc: {  	_ =	swait.ge [sflag:s6], $0x8000  }
0xfd: {  	[sflag:s6] =	ssyncset.done $0x0  }
0xfe: {  	[sflag:s6] =	ssyncadd.s32 $0xFFFF8000  }
0xff: {  	[tilespmem:s2], [sflag:$0x1] =	stream.linear.gather [hbm4b:s28+s2], $0x8000, $0x38;
	[tilespmem:$0x10000] =	vst v63  }
0x100: {  	_ =	swait.ge [sflag:s3], $0x8000  }
0x101: {  	[sflag:s3] =	ssyncset.done $0x0  }
0x102: {  	[sflag:s3] =	ssyncadd.s32 $0xFFFF8000  }
0x103: {  	[hbm4b:s29+s2] =	stream.linear.scatter [tilespmem:s2], [sflag:$0x3], $0x8000, $0x38;
	[tilespmem:$0x10000] =	vst v63  }
0x104: {  	_ =	swait.ge [sflag:s7], $0x8000  }
0x105: {  	[sflag:s7] =	ssyncset.done $0x0  }
0x106: {  	[sflag:s7] =	ssyncadd.s32 $0xFFFF8000  }
0x107: {  	[tilespmem:s4], [sflag:$0x2] =	stream.linear.gather [hbm4b:s30+s2], $0x8000, $0x38;
	[tilespmem:$0x10000] =	vst v63  }
0x108: {  	_ =	swait.ge [sflag:s5], $0x8000  }
0x109: {  	[sflag:s5] =	ssyncset.done $0x0  }
0x10a: {  	p0 =	sne.s32 s0, $0x1;
	[sflag:s5] =	ssyncadd.s32 $0xFFFF8000  }
0x10b: {  	[hbm4b:s31+s2] =	stream.linear.scatter [tilespmem:s4], [sflag:$0x4], $0x8000, $0x38;
	[tilespmem:$0x10000] =	vst v63  }
.Ltmp1:
0x10c: {  	_ =	swait.ge [sflag:s6], $0x8000;
	(pc) =	sbr.rel @p0 .LBB2_1-.Ltmp1, $4  }
0x10d: {  	[sflag:s6] =	ssyncset.done $0x0  }
0x10e: {  	[sflag:s6] =	ssyncadd.s32 $0xFFFF8000  }
0x10f: {  	_ =	swait.ge [sflag:s7], $0x8000  }
0x110: {  	s0 =	sadd.s32 $0xFFFFFFFF, s0;
	[sflag:s7] =	ssyncset.done $0x0  }
.LBB2_2:
0x111: {  	[sflag:s7] =	ssyncadd.s32 $0xFFFF8000  }
0x112: {  	_ =	sfence.sel $0x180000  }
0x113: {  	[bflag:$0x0] =	sbarrier.arrive $0xFFFF  }
0x114: {  	_ =	strace $0x90000047  }
0x115: {  	s0 =	stileid.u32;
	[bflag:$0x2] =	sbarrier.arrive $0xFFFF  }
0x116: {  	p0 =	sne.s32 s0, $0x0;
	s0 =	rddreg [dreg:$0x2]  }
0x117: {  	s0 =	sadd.s32 @!p0 $0x100000, s0  }
0x118: {  	[sflag:s0] =	ssyncadd.tile.s32 @!p0 $0x1;
	_ =	shalt  }
.Lfunc_end2:
_tile_overlayer_lowered:
.L_overlay_start_2:
0x119: {  	(tag) =	ssettag $0x2  }
0x11a: {  	s0 =	rddreg [dreg:$0x0];
	s2 =	stileid.u32  }
0x11b: {  	s1 =	rddreg [dreg:$0x1];
	p0 =	sne.s32 s2, $0x0  }
0x11c: {  	s3 =	rddreg [dreg:$0x2];
	[bflag:$0x3] =	sbarrier.arrive $0xFFFF;
	s2 =	simm.s32 @!p0 $0x1C05  }
0x11d: {  	[timem:s3], [sflag:s2] =	dma.local @!p0 [hbm:s0], s1  }
0x11e: {  	s0 =	simm.s32 @!p0 $0x5  }
0x11f: {  	_ =	swait.ge @!p0 [sflag:s0], s1  }
0x120: {  	s1 =	ssub.s32 @!p0 $0x0, s1;
	[sflag:s0] =	ssyncset.done @!p0 $0x0  }
0x121: {  	[sflag:s0] =	ssyncadd.s32 @!p0 s1  }
0x122: {  	[bflag:$0x3] =	sbarrier.arrive $0xFFFF  }
0x123: {  	_ =	shalt  }

</sc_bundles>
